<compile_context>
chip_gen: v7x
topology: tpu7x:2x2x1
jax: 0.10.2.dev20260603
libtpu: 0.0.44.dev20260713+nightly
codegen_flags: <defaults>
</compile_context>

<pallas_src>
import functools

import jax
import jax.numpy as jnp
import numpy as np
from jax import lax
from jax.experimental import pallas as pl
from jax.experimental.pallas import tpu as pltpu
from jax.experimental.pallas import tpu_sc as plsc

B = 1024
L = 150
D = 25
V = 5001
H = 500
C = 2
DH = 12
DPAD = 16
NIDX = B * L

NC = 2
NS = 16
NW = NC * NS
B_PER_W = NIDX // NW
CH = 40
CW = 120
BPW = B // NW
GRP = 8
NG = BPW // GRP
CPG = CH // NG
WCR = L * DH + 8

_P = np.zeros((D, DPAD), np.float32)
for _j in range(DH):
    _P[2 * _j, _j] = 0.5
    _P[2 * _j + 1, _j] = 0.5


def _precompute(emb, p_mat, w1, w2, b1r, b2r):

    def body(emb_ref, p_ref, w1_ref, w2_ref, b1_ref, b2_ref,
             pt_ref, wc_ref, bc_ref):
        pt_ref[...] = jnp.dot(emb_ref[...], p_ref[...],
                              preferred_element_type=jnp.float32)
        wc_ref[...] = jnp.dot(w1_ref[...], w2_ref[...],
                              preferred_element_type=jnp.float32)
        bcd = jnp.dot(b1_ref[...], w2_ref[...],
                      preferred_element_type=jnp.float32) + b2_ref[...]
        bc_ref[...] = jnp.concatenate([bcd] * (DPAD // C), axis=1)

    return pl.pallas_call(
        body,
        out_shape=[
            jax.ShapeDtypeStruct((V, DPAD), jnp.float32),
            jax.ShapeDtypeStruct((L * DH, C), jnp.float32),
            jax.ShapeDtypeStruct((1, DPAD), jnp.float32),
        ],
    )(emb, p_mat, w1, w2, b1r, b2r)


def _sc_fused(ptable, idx3, wc12, bct):
    mesh = plsc.VectorSubcoreMesh(core_axis_name="c", subcore_axis_name="s")

    @functools.partial(
        pl.kernel,
        mesh=mesh,
        out_type=jax.ShapeDtypeStruct((B * C,), jnp.float32),
        scratch_types=[
            pltpu.VMEM((CH, CW), jnp.int32),
            pltpu.VMEM((B_PER_W, DPAD), jnp.float32),
            pltpu.VMEM((WCR, C), jnp.float32),
            pltpu.VMEM((L, C, DPAD), jnp.float32),
            pltpu.VMEM((1, DPAD), jnp.float32),
            pltpu.VMEM((BPW * C,), jnp.float32),
            pltpu.SemaphoreType.DMA,
        ],
        compiler_params=pltpu.CompilerParams(
            use_tc_tiling_on_sc=False, needs_layout_passes=False),
    )
    def k(pt_hbm, idx_hbm, wc_hbm, bc_hbm, out_hbm,
          idx_v, rows_v, wcr_v, wc_v, bc_v, out_v, sem):
        wid = lax.axis_index("s") * NC + lax.axis_index("c")
        pltpu.sync_copy(idx_hbm.at[wid], idx_v)
        pltpu.sync_copy(wc_hbm, wcr_v.at[pl.ds(0, L * DH)])
        pltpu.sync_copy(bc_hbm, bc_v)

        def fire(j, carry):
            pltpu.make_async_copy(
                pt_hbm.at[idx_v.at[j]],
                rows_v.at[pl.ds(j * CW, CW)], sem).start()
            return carry

        lax.fori_loop(0, CH, fire, 0)

        lanes = lax.iota(jnp.int32, 16)
        zero16 = jnp.zeros((16,), jnp.float32)

        def build_wc(l, carry):
            rows = l * DH + lanes
            for c in range(C):
                cols = jnp.full((16,), c, jnp.int32)
                vec = plsc.load_gather(wcr_v, [rows, cols])
                wc_v[l, c] = jnp.where(lanes < DH, vec, 0.0)
            return carry

        lax.fori_loop(0, L, build_wc, 0)
        bc_tiled = bc_v[0]

        def group_body(g, carry):
            def drain(i, carry2):
                j = g * CPG + i
                pltpu.make_async_copy(
                    pt_hbm.at[idx_v.at[j]],
                    rows_v.at[pl.ds(j * CW, CW)], sem).wait()
                return carry2

            lax.fori_loop(0, CPG, drain, 0)

            def l_body(l, accs):
                w0 = wc_v[l, 0]
                w1 = wc_v[l, 1]
                base = g * (GRP * L) + l
                new = []
                for kk in range(GRP):
                    row = rows_v[base + kk * L]
                    new.append(accs[2 * kk] + row * w0)
                    new.append(accs[2 * kk + 1] + row * w1)
                return tuple(new)

            accs = lax.fori_loop(0, L, l_body, (zero16,) * (2 * GRP))
            out_vec = zero16
            for kk in range(GRP):
                s0 = jnp.sum(accs[2 * kk])
                s1 = jnp.sum(accs[2 * kk + 1])
                out_vec = jnp.where(lanes == 2 * kk, s0, out_vec)
                out_vec = jnp.where(lanes == 2 * kk + 1, s1, out_vec)
            out_v[pl.ds(g * 16, 16)] = out_vec + bc_tiled
            return carry

        lax.fori_loop(0, NG, group_body, 0)
        pltpu.sync_copy(out_v, out_hbm.at[pl.ds(wid * (BPW * C), BPW * C)])

    return k(ptable, idx3, wc12, bct)


def kernel(sents, _, emb_table, W1, b1, W2, b2):
    ptable, wc12, bct = _precompute(
        emb_table, jnp.asarray(_P), W1, W2,
        b1.reshape(1, H), b2.reshape(1, C))
    idx3 = sents.astype(jnp.int32).reshape(NW, CH, CW)
    out = _sc_fused(ptable, idx3, wc12, bct)
    return out.reshape(B, C)

# --- scband reference (transcript-rebuilt; emitter-appended) ---
"""Pipeline reference for scband-bpe-ffn-6622839571280 (READ-ONLY COPY).

The authoritative reference and input builder live on the scoring server;
editing this copy changes nothing except your own understanding.
"""

import jax, jax.numpy as jnp
import numpy as np

B = 1024      # cfg.batch_size
L = 150       # max_seq_len
D = 25        # embedding_dim
V = 5001      # vocab_size 5000 + pad embedding
H = 500       # hidden_units
C = 2         # num_classes (binary task e.g. sst2)
DP = (D // 2) * 2  # avg_pool1d(2) consumes floor pairs -> 24
FEAT = L * (D // 2)  # flattened pooled features = 150*12 = 1800

def setup_inputs(seed: int = 0) -> dict:
    key = jax.random.key(seed)
    k1, k2, k3, k4, k5, k6 = jax.random.split(key, 6)
    sents = jax.random.randint(k1, (B, L), 0, V)
    dummy = jnp.zeros((1,), dtype=jnp.int32)
    emb_table = jax.random.normal(k2, (V, D), dtype=jnp.float32)  # pretrained BPEmb vectors
    W1 = jax.random.normal(k3, (FEAT, H), dtype=jnp.float32) * 0.02
    b1 = jnp.zeros((H,), dtype=jnp.float32)
    W2 = jax.random.normal(k4, (H, C), dtype=jnp.float32) * 0.02
    b2 = jnp.zeros((C,), dtype=jnp.float32)
    return {"sents": sents, "_": dummy, "emb_table": emb_table,
            "W1": W1, "b1": b1, "W2": W2, "b2": b2}

def reference(sents, _, emb_table, W1, b1, W2, b2):
    # emb = self.embedding(sents).float()
    emb = jnp.take(emb_table, sents, axis=0).astype(jnp.float32)  # [B, L, D]
    # x = self.avg_pool(emb)  -> AvgPool1d(kernel=2, stride=2) over last dim
    x = emb[..., :DP].reshape(B, L, D // 2, 2).mean(axis=-1)      # [B, L, 12]
    # x = x.view(batch_size, -1)
    x = x.reshape(B, -1)                                           # [B, 1800]
    # classifier: Linear(1800->500) then Linear(500->C)
    h = x @ W1 + b1
    out = h @ W2 + b2
    return out

if __name__ == "__main__":
    import jax
    _d = setup_inputs()
    print(jax.jit(kernel)(*tuple(_d.values())))

</pallas_src>

<mosaic_0001>
#map = affine_map<(d0, d1) -> (0, 0)>
#map1 = affine_map<(d0, d1) -> (0, 0, 0)>
#map2 = affine_map<(d0, d1) -> (0)>
module attributes {stable_mosaic.version = 14 : i64} {
  func.func @k(%arg0: i32, %arg1: i32, %arg2: memref<5001x16xf32, #tpu.memory_space<hbm>>, %arg3: memref<32x40x120xi32, #tpu.memory_space<hbm>>, %arg4: memref<1800x2xf32, #tpu.memory_space<hbm>>, %arg5: memref<1x16xf32, #tpu.memory_space<hbm>>, %arg6: memref<2048xf32, #tpu.memory_space<hbm>>, %arg7: memref<40x120xi32, #tpu.memory_space<vmem>>, %arg8: memref<4800x16xf32, #tpu.memory_space<vmem>>, %arg9: memref<1808x2xf32, #tpu.memory_space<vmem>>, %arg10: memref<150x2x16xf32, #tpu.memory_space<vmem>>, %arg11: memref<1x16xf32, #tpu.memory_space<vmem>>, %arg12: memref<64xf32, #tpu.memory_space<vmem>>, %arg13: memref<!tpu.dma_semaphore, #tpu.memory_space<semaphore_mem>>) attributes {dimension_semantics = [#tpu.dimension_semantics<core_parallel>, #tpu.dimension_semantics<subcore_parallel>], iteration_bounds = array<i64: 2, 16>, scalar_prefetch = 0 : i64, scratch_operands = 7 : i64, tpu.core_type = #tpu.core_type<sc_vector_subcore>, window_params = [{transform_indices = #map}, {transform_indices = #map1}, {transform_indices = #map}, {transform_indices = #map}, {transform_indices = #map2}]} {
    %mul3A = arith.constant 2 : i32
    %mul3A_0 = arith.muli %arg1, %mul3A : i32
    %add3A = arith.addi %mul3A_0, %arg0 : i32
    "tpu.region"() ({
      %run_scoped3A = tpu.sem_alloc : memref<!tpu.dma_semaphore, #tpu.memory_space<semaphore_mem>>
      %dma_start3A = arith.constant 0 : i32
      %dma_start3A_24 = arith.constant 0 : i32
      %dma_start3A_25 = tpu.memref_slice %arg3[%add3A, %dma_start3A, %dma_start3A_24] : memref<32x40x120xi32, #tpu.memory_space<hbm>> -> memref<1x40x120xi32, #tpu.memory_space<hbm>>
      %dma_start3A_26 = tpu.memref_squeeze %dma_start3A_25 : memref<1x40x120xi32, #tpu.memory_space<hbm>> -> memref<40x120xi32, #tpu.memory_space<hbm>>
      %dma_start3A_27 = arith.constant 0 : i32
      %dma_start3A_28 = arith.constant 0 : i32
      %dma_start3A_29 = tpu.memref_slice %arg3[%add3A, %dma_start3A_27, %dma_start3A_28] : memref<32x40x120xi32, #tpu.memory_space<hbm>> -> memref<1x40x120xi32, #tpu.memory_space<hbm>>
      %dma_start3A_30 = tpu.memref_squeeze %dma_start3A_29 : memref<1x40x120xi32, #tpu.memory_space<hbm>> -> memref<40x120xi32, #tpu.memory_space<hbm>>
      tpu.enqueue_dma source(%dma_start3A_30 : memref<40x120xi32, #tpu.memory_space<hbm>>) target(%arg7 : memref<40x120xi32, #tpu.memory_space<vmem>>) target_semaphore(%run_scoped3A : memref<!tpu.dma_semaphore, #tpu.memory_space<semaphore_mem>>)
      %dma_wait3A = arith.constant 0 : i32
      %dma_wait3A_31 = arith.constant 0 : i32
      %dma_wait3A_32 = tpu.memref_slice %arg3[%add3A, %dma_wait3A, %dma_wait3A_31] : memref<32x40x120xi32, #tpu.memory_space<hbm>> -> memref<1x40x120xi32, #tpu.memory_space<hbm>>
      %dma_wait3A_33 = tpu.memref_squeeze %dma_wait3A_32 : memref<1x40x120xi32, #tpu.memory_space<hbm>> -> memref<40x120xi32, #tpu.memory_space<hbm>>
      %dma_wait3A_34 = arith.constant 0 : i32
      %dma_wait3A_35 = arith.constant 0 : i32
      %dma_wait3A_36 = tpu.memref_slice %arg3[%add3A, %dma_wait3A_34, %dma_wait3A_35] : memref<32x40x120xi32, #tpu.memory_space<hbm>> -> memref<1x40x120xi32, #tpu.memory_space<hbm>>
      %dma_wait3A_37 = tpu.memref_squeeze %dma_wait3A_36 : memref<1x40x120xi32, #tpu.memory_space<hbm>> -> memref<40x120xi32, #tpu.memory_space<hbm>>
      tpu.wait_dma2 semaphore(%run_scoped3A : memref<!tpu.dma_semaphore, #tpu.memory_space<semaphore_mem>>) src(%dma_wait3A_37 : memref<40x120xi32, #tpu.memory_space<hbm>>) dst(%arg7 : memref<40x120xi32, #tpu.memory_space<vmem>>)
      tpu.yield
    }) : () -> ()
    "tpu.region"() ({
      %run_scoped3A = tpu.sem_alloc : memref<!tpu.dma_semaphore, #tpu.memory_space<semaphore_mem>>
      %dma_start3A = arith.constant 0 : i32
      %dma_start3A_24 = arith.constant 0 : i32
      %dma_start3A_25 = tpu.memref_slice %arg9[%dma_start3A, %dma_start3A_24] : memref<1808x2xf32, #tpu.memory_space<vmem>> -> memref<1800x2xf32, #tpu.memory_space<vmem>>
      %dma_start3A_26 = arith.constant 0 : i32
      %dma_start3A_27 = arith.constant 0 : i32
      %dma_start3A_28 = tpu.memref_slice %arg9[%dma_start3A_26, %dma_start3A_27] : memref<1808x2xf32, #tpu.memory_space<vmem>> -> memref<1800x2xf32, #tpu.memory_space<vmem>>
      tpu.enqueue_dma source(%arg4 : memref<1800x2xf32, #tpu.memory_space<hbm>>) target(%dma_start3A_28 : memref<1800x2xf32, #tpu.memory_space<vmem>>) target_semaphore(%run_scoped3A : memref<!tpu.dma_semaphore, #tpu.memory_space<semaphore_mem>>)
      %dma_wait3A = arith.constant 0 : i32
      %dma_wait3A_29 = arith.constant 0 : i32
      %dma_wait3A_30 = tpu.memref_slice %arg9[%dma_wait3A, %dma_wait3A_29] : memref<1808x2xf32, #tpu.memory_space<vmem>> -> memref<1800x2xf32, #tpu.memory_space<vmem>>
      %dma_wait3A_31 = arith.constant 0 : i32
      %dma_wait3A_32 = arith.constant 0 : i32
      %dma_wait3A_33 = tpu.memref_slice %arg9[%dma_wait3A_31, %dma_wait3A_32] : memref<1808x2xf32, #tpu.memory_space<vmem>> -> memref<1800x2xf32, #tpu.memory_space<vmem>>
      tpu.wait_dma2 semaphore(%run_scoped3A : memref<!tpu.dma_semaphore, #tpu.memory_space<semaphore_mem>>) src(%arg4 : memref<1800x2xf32, #tpu.memory_space<hbm>>) dst(%dma_wait3A_33 : memref<1800x2xf32, #tpu.memory_space<vmem>>)
      tpu.yield
    }) : () -> ()
    "tpu.region"() ({
      %run_scoped3A = tpu.sem_alloc : memref<!tpu.dma_semaphore, #tpu.memory_space<semaphore_mem>>
      tpu.enqueue_dma source(%arg5 : memref<1x16xf32, #tpu.memory_space<hbm>>) target(%arg11 : memref<1x16xf32, #tpu.memory_space<vmem>>) target_semaphore(%run_scoped3A : memref<!tpu.dma_semaphore, #tpu.memory_space<semaphore_mem>>)
      tpu.wait_dma2 semaphore(%run_scoped3A : memref<!tpu.dma_semaphore, #tpu.memory_space<semaphore_mem>>) src(%arg5 : memref<1x16xf32, #tpu.memory_space<hbm>>) dst(%arg11 : memref<1x16xf32, #tpu.memory_space<vmem>>)
      tpu.yield
    }) : () -> ()
    %scan3A = arith.constant 0 : i32
    %scan3A_1 = arith.constant 0 : i32
    %scan3A_2 = arith.constant 40 : i32
    %scan3A_3 = arith.addi %scan3A_1, %scan3A_2 : i32
    %scan3A_4 = arith.constant 1 : i32
    scf.for %scan3A_24 = %scan3A_1 to %scan3A_3 step %scan3A_4  : i32 {
      %mul3A_25 = arith.constant 120 : i32
      %mul3A_26 = arith.muli %scan3A_24, %mul3A_25 : i32
      %dma_start3A = arith.constant 0 : i32
      %dma_start3A_27 = tpu.memref_slice %arg8[%mul3A_26, %dma_start3A] : memref<4800x16xf32, #tpu.memory_space<vmem>> -> memref<120x16xf32, #tpu.memory_space<vmem>>
      %dma_start3A_28 = arith.constant 0 : i32
      %dma_start3A_29 = tpu.memref_slice %arg7[%scan3A_24, %dma_start3A_28] : memref<40x120xi32, #tpu.memory_space<vmem>> -> memref<1x120xi32, #tpu.memory_space<vmem>>
      %dma_start3A_30 = tpu.memref_squeeze %dma_start3A_29 : memref<1x120xi32, #tpu.memory_space<vmem>> -> memref<120xi32, #tpu.memory_space<vmem>>
      %dma_start3A_31 = arith.constant 0 : i32
      %dma_start3A_32 = arith.constant 0 : i32
      %dma_start3A_33 = tpu.memref_slice %arg2[%dma_start3A_31, %dma_start3A_32] : memref<5001x16xf32, #tpu.memory_space<hbm>> -> memref<5001x16xf32, #tpu.memory_space<hbm>>
      tpu.enqueue_indirect_dma source(%dma_start3A_33 : memref<5001x16xf32, #tpu.memory_space<hbm>>) target(%dma_start3A_27 : memref<120x16xf32, #tpu.memory_space<vmem>>) offsets(%dma_start3A_30 : memref<120xi32, #tpu.memory_space<vmem>>) semaphore(%arg13 : memref<!tpu.dma_semaphore, #tpu.memory_space<semaphore_mem>>)
    }
    %scan3A_5 = arith.constant 40 : i32
    %iota3A = tpu.iota {dimensions = array<i32: 0>} : vector<16xi32>
    %broadcast_in_dim3A = arith.constant 0.000000e+00 : f32
    %broadcast_in_dim3A_6 = vector.broadcast %broadcast_in_dim3A : f32 to vector<16xf32>
    %scan3A_7 = arith.constant 0 : i32
    %scan3A_8 = arith.constant 0 : i32
    %scan3A_9 = arith.constant 150 : i32
    %scan3A_10 = arith.addi %scan3A_8, %scan3A_9 : i32
    %scan3A_11 = arith.constant 1 : i32
    scf.for %scan3A_24 = %scan3A_8 to %scan3A_10 step %scan3A_11  : i32 {
      %mul3A_25 = arith.constant 12 : i32
      %mul3A_26 = arith.muli %scan3A_24, %mul3A_25 : i32
      %add3A_27 = vector.broadcast %mul3A_26 : i32 to vector<16xi32>
      %add3A_28 = arith.addi %add3A_27, %iota3A : vector<16xi32>
      %broadcast_in_dim3A_29 = arith.constant 0 : i32
      %broadcast_in_dim3A_30 = vector.broadcast %broadcast_in_dim3A_29 : i32 to vector<16xi32>
      %gather3A = tpu.vector_load_idx %arg9[%add3A_28, %broadcast_in_dim3A_30] : memref<1808x2xf32, #tpu.memory_space<vmem>>[vector<16xi32>, vector<16xi32>], vector<16xf32>,
      %lt3A = arith.constant 12 : i32
      %lt3A_31 = vector.broadcast %lt3A : i32 to vector<16xi32>
      %lt3A_32 = arith.cmpi slt, %iota3A, %lt3A_31 : vector<16xi32>
      %jit3A = arith.constant 0.000000e+00 : f32
      %broadcast_in_dim3A_33 = vector.broadcast %jit3A : f32 to vector<16xf32>
      %select_n3A = arith.select %lt3A_32, %gather3A, %broadcast_in_dim3A_33 : vector<16xi1>, vector<16xf32>
      %swap3A = arith.constant 0 : i32
      %swap3A_34 = arith.index_cast %scan3A_24 : i32 to index
      %swap3A_35 = arith.index_cast %swap3A : i32 to index
      %swap3A_36 = arith.constant 0 : index
      %swap3A_37 = tpu.vector_load %arg10[%swap3A_34, %swap3A_35, %swap3A_36] {strides = array<i32>} : memref<150x2x16xf32, #tpu.memory_space<vmem>>, vector<16xf32>,
      tpu.vector_store %arg10[%swap3A_34, %swap3A_35, %swap3A_36], %select_n3A {strides = array<i32>} : memref<150x2x16xf32, #tpu.memory_space<vmem>>, vector<16xf32>,
      %broadcast_in_dim3A_38 = arith.constant 1 : i32
      %broadcast_in_dim3A_39 = vector.broadcast %broadcast_in_dim3A_38 : i32 to vector<16xi32>
      %gather3A_40 = tpu.vector_load_idx %arg9[%add3A_28, %broadcast_in_dim3A_39] : memref<1808x2xf32, #tpu.memory_space<vmem>>[vector<16xi32>, vector<16xi32>], vector<16xf32>,
      %lt3A_41 = arith.constant 12 : i32
      %lt3A_42 = vector.broadcast %lt3A_41 : i32 to vector<16xi32>
      %lt3A_43 = arith.cmpi slt, %iota3A, %lt3A_42 : vector<16xi32>
      %jit3A_44 = arith.constant 0.000000e+00 : f32
      %broadcast_in_dim3A_45 = vector.broadcast %jit3A_44 : f32 to vector<16xf32>
      %select_n3A_46 = arith.select %lt3A_43, %gather3A_40, %broadcast_in_dim3A_45 : vector<16xi1>, vector<16xf32>
      %swap3A_47 = arith.constant 1 : i32
      %swap3A_48 = arith.index_cast %scan3A_24 : i32 to index
      %swap3A_49 = arith.index_cast %swap3A_47 : i32 to index
      %swap3A_50 = arith.constant 0 : index
      %swap3A_51 = tpu.vector_load %arg10[%swap3A_48, %swap3A_49, %swap3A_50] {strides = array<i32>} : memref<150x2x16xf32, #tpu.memory_space<vmem>>, vector<16xf32>,
      tpu.vector_store %arg10[%swap3A_48, %swap3A_49, %swap3A_50], %select_n3A_46 {strides = array<i32>} : memref<150x2x16xf32, #tpu.memory_space<vmem>>, vector<16xf32>,
    }
    %scan3A_12 = arith.constant 150 : i32
    %get3A = arith.constant 0 : i32
    %get3A_13 = arith.index_cast %get3A : i32 to index
    %get3A_14 = arith.constant 0 : index
    %get3A_15 = tpu.vector_load %arg11[%get3A_13, %get3A_14] {strides = array<i32>} : memref<1x16xf32, #tpu.memory_space<vmem>>, vector<16xf32>,
    %scan3A_16 = arith.constant 0 : i32
    %scan3A_17 = arith.constant 0 : i32
    %scan3A_18 = arith.constant 4 : i32
    %scan3A_19 = arith.addi %scan3A_17, %scan3A_18 : i32
    %scan3A_20 = arith.constant 1 : i32
    scf.for %scan3A_24 = %scan3A_17 to %scan3A_19 step %scan3A_20  : i32 {
      %scan3A_25 = arith.constant 0 : i32
      %scan3A_26 = arith.constant 0 : i32
      %scan3A_27 = arith.constant 10 : i32
      %scan3A_28 = arith.addi %scan3A_26, %scan3A_27 : i32
      %scan3A_29 = arith.constant 1 : i32
      scf.for %scan3A_182 = %scan3A_26 to %scan3A_28 step %scan3A_29  : i32 {
        %mul3A_183 = arith.constant 10 : i32
        %mul3A_184 = arith.muli %scan3A_24, %mul3A_183 : i32
        %add3A_185 = arith.addi %mul3A_184, %scan3A_182 : i32
        %mul3A_186 = arith.constant 120 : i32
        %mul3A_187 = arith.muli %add3A_185, %mul3A_186 : i32
        %dma_wait3A = arith.constant 0 : i32
        %dma_wait3A_188 = tpu.memref_slice %arg8[%mul3A_187, %dma_wait3A] : memref<4800x16xf32, #tpu.memory_space<vmem>> -> memref<120x16xf32, #tpu.memory_space<vmem>>
        %dma_wait3A_189 = arith.constant 0 : i32
        %dma_wait3A_190 = tpu.memref_slice %arg7[%add3A_185, %dma_wait3A_189] : memref<40x120xi32, #tpu.memory_space<vmem>> -> memref<1x120xi32, #tpu.memory_space<vmem>>
        %dma_wait3A_191 = tpu.memref_squeeze %dma_wait3A_190 : memref<1x120xi32, #tpu.memory_space<vmem>> -> memref<120xi32, #tpu.memory_space<vmem>>
        %dma_wait3A_192 = arith.constant 0 : i32
        %dma_wait3A_193 = arith.constant 0 : i32
        %dma_wait3A_194 = tpu.memref_slice %arg2[%dma_wait3A_192, %dma_wait3A_193] : memref<5001x16xf32, #tpu.memory_space<hbm>> -> memref<5001x16xf32, #tpu.memory_space<hbm>>
        tpu.wait_indirect_dma semaphore(%arg13 : memref<!tpu.dma_semaphore, #tpu.memory_space<semaphore_mem>>) src(%dma_wait3A_194 : memref<5001x16xf32, #tpu.memory_space<hbm>>) dst(%dma_wait3A_188 : memref<120x16xf32, #tpu.memory_space<vmem>>)
      }
      %scan3A_30 = arith.constant 10 : i32
      %scan3A_31 = arith.constant 0 : i32
      %scan3A_32 = arith.constant 150 : i32
      %scan3A_33 = arith.addi %scan3A_31, %scan3A_32 : i32
      %scan3A_34 = arith.constant 1 : i32
      %scan3A_35:16 = scf.for %scan3A_182 = %scan3A_31 to %scan3A_33 step %scan3A_34 iter_args(%scan3A_183 = %broadcast_in_dim3A_6, %scan3A_184 = %broadcast_in_dim3A_6, %scan3A_185 = %broadcast_in_dim3A_6, %scan3A_186 = %broadcast_in_dim3A_6, %scan3A_187 = %broadcast_in_dim3A_6, %scan3A_188 = %broadcast_in_dim3A_6, %scan3A_189 = %broadcast_in_dim3A_6, %scan3A_190 = %broadcast_in_dim3A_6, %scan3A_191 = %broadcast_in_dim3A_6, %scan3A_192 = %broadcast_in_dim3A_6, %scan3A_193 = %broadcast_in_dim3A_6, %scan3A_194 = %broadcast_in_dim3A_6, %scan3A_195 = %broadcast_in_dim3A_6, %scan3A_196 = %broadcast_in_dim3A_6, %scan3A_197 = %broadcast_in_dim3A_6, %scan3A_198 = %broadcast_in_dim3A_6) -> (vector<16xf32>, vector<16xf32>, vector<16xf32>, vector<16xf32>, vector<16xf32>, vector<16xf32>, vector<16xf32>, vector<16xf32>, vector<16xf32>, vector<16xf32>, vector<16xf32>, vector<16xf32>, vector<16xf32>, vector<16xf32>, vector<16xf32>, vector<16xf32>)  : i32 {
        %get3A_199 = arith.constant 0 : i32
        %get3A_200 = arith.index_cast %scan3A_182 : i32 to index
        %get3A_201 = arith.index_cast %get3A_199 : i32 to index
        %get3A_202 = arith.constant 0 : index
        %get3A_203 = tpu.vector_load %arg10[%get3A_200, %get3A_201, %get3A_202] {strides = array<i32>} : memref<150x2x16xf32, #tpu.memory_space<vmem>>, vector<16xf32>,
        %get3A_204 = arith.constant 1 : i32
        %get3A_205 = arith.index_cast %scan3A_182 : i32 to index
        %get3A_206 = arith.index_cast %get3A_204 : i32 to index
        %get3A_207 = arith.constant 0 : index
        %get3A_208 = tpu.vector_load %arg10[%get3A_205, %get3A_206, %get3A_207] {strides = array<i32>} : memref<150x2x16xf32, #tpu.memory_space<vmem>>, vector<16xf32>,
        %mul3A_209 = arith.constant 1200 : i32
        %mul3A_210 = arith.muli %scan3A_24, %mul3A_209 : i32
        %add3A_211 = arith.addi %mul3A_210, %scan3A_182 : i32
        %add3A_212 = arith.constant 0 : i32
        %add3A_213 = arith.addi %add3A_211, %add3A_212 : i32
        %get3A_214 = arith.index_cast %add3A_213 : i32 to index
        %get3A_215 = arith.constant 0 : index
        %get3A_216 = tpu.vector_load %arg8[%get3A_214, %get3A_215] {strides = array<i32>} : memref<4800x16xf32, #tpu.memory_space<vmem>>, vector<16xf32>,
        %mul3A_217 = arith.mulf %get3A_216, %get3A_203 : vector<16xf32>
        %add3A_218 = arith.addf %scan3A_183, %mul3A_217 : vector<16xf32>
        %mul3A_219 = arith.mulf %get3A_216, %get3A_208 : vector<16xf32>
        %add3A_220 = arith.addf %scan3A_184, %mul3A_219 : vector<16xf32>
        %add3A_221 = arith.constant 150 : i32
        %add3A_222 = arith.addi %add3A_211, %add3A_221 : i32
        %get3A_223 = arith.index_cast %add3A_222 : i32 to index
        %get3A_224 = arith.constant 0 : index
        %get3A_225 = tpu.vector_load %arg8[%get3A_223, %get3A_224] {strides = array<i32>} : memref<4800x16xf32, #tpu.memory_space<vmem>>, vector<16xf32>,
        %mul3A_226 = arith.mulf %get3A_225, %get3A_203 : vector<16xf32>
        %add3A_227 = arith.addf %scan3A_185, %mul3A_226 : vector<16xf32>
        %mul3A_228 = arith.mulf %get3A_225, %get3A_208 : vector<16xf32>
        %add3A_229 = arith.addf %scan3A_186, %mul3A_228 : vector<16xf32>
        %add3A_230 = arith.constant 300 : i32
        %add3A_231 = arith.addi %add3A_211, %add3A_230 : i32
        %get3A_232 = arith.index_cast %add3A_231 : i32 to index
        %get3A_233 = arith.constant 0 : index
        %get3A_234 = tpu.vector_load %arg8[%get3A_232, %get3A_233] {strides = array<i32>} : memref<4800x16xf32, #tpu.memory_space<vmem>>, vector<16xf32>,
        %mul3A_235 = arith.mulf %get3A_234, %get3A_203 : vector<16xf32>
        %add3A_236 = arith.addf %scan3A_187, %mul3A_235 : vector<16xf32>
        %mul3A_237 = arith.mulf %get3A_234, %get3A_208 : vector<16xf32>
        %add3A_238 = arith.addf %scan3A_188, %mul3A_237 : vector<16xf32>
        %add3A_239 = arith.constant 450 : i32
        %add3A_240 = arith.addi %add3A_211, %add3A_239 : i32
        %get3A_241 = arith.index_cast %add3A_240 : i32 to index
        %get3A_242 = arith.constant 0 : index
        %get3A_243 = tpu.vector_load %arg8[%get3A_241, %get3A_242] {strides = array<i32>} : memref<4800x16xf32, #tpu.memory_space<vmem>>, vector<16xf32>,
        %mul3A_244 = arith.mulf %get3A_243, %get3A_203 : vector<16xf32>
        %add3A_245 = arith.addf %scan3A_189, %mul3A_244 : vector<16xf32>
        %mul3A_246 = arith.mulf %get3A_243, %get3A_208 : vector<16xf32>
        %add3A_247 = arith.addf %scan3A_190, %mul3A_246 : vector<16xf32>
        %add3A_248 = arith.constant 600 : i32
        %add3A_249 = arith.addi %add3A_211, %add3A_248 : i32
        %get3A_250 = arith.index_cast %add3A_249 : i32 to index
        %get3A_251 = arith.constant 0 : index
        %get3A_252 = tpu.vector_load %arg8[%get3A_250, %get3A_251] {strides = array<i32>} : memref<4800x16xf32, #tpu.memory_space<vmem>>, vector<16xf32>,
        %mul3A_253 = arith.mulf %get3A_252, %get3A_203 : vector<16xf32>
        %add3A_254 = arith.addf %scan3A_191, %mul3A_253 : vector<16xf32>
        %mul3A_255 = arith.mulf %get3A_252, %get3A_208 : vector<16xf32>
        %add3A_256 = arith.addf %scan3A_192, %mul3A_255 : vector<16xf32>
        %add3A_257 = arith.constant 750 : i32
        %add3A_258 = arith.addi %add3A_211, %add3A_257 : i32
        %get3A_259 = arith.index_cast %add3A_258 : i32 to index
        %get3A_260 = arith.constant 0 : index
        %get3A_261 = tpu.vector_load %arg8[%get3A_259, %get3A_260] {strides = array<i32>} : memref<4800x16xf32, #tpu.memory_space<vmem>>, vector<16xf32>,
        %mul3A_262 = arith.mulf %get3A_261, %get3A_203 : vector<16xf32>
        %add3A_263 = arith.addf %scan3A_193, %mul3A_262 : vector<16xf32>
        %mul3A_264 = arith.mulf %get3A_261, %get3A_208 : vector<16xf32>
        %add3A_265 = arith.addf %scan3A_194, %mul3A_264 : vector<16xf32>
        %add3A_266 = arith.constant 900 : i32
        %add3A_267 = arith.addi %add3A_211, %add3A_266 : i32
        %get3A_268 = arith.index_cast %add3A_267 : i32 to index
        %get3A_269 = arith.constant 0 : index
        %get3A_270 = tpu.vector_load %arg8[%get3A_268, %get3A_269] {strides = array<i32>} : memref<4800x16xf32, #tpu.memory_space<vmem>>, vector<16xf32>,
        %mul3A_271 = arith.mulf %get3A_270, %get3A_203 : vector<16xf32>
        %add3A_272 = arith.addf %scan3A_195, %mul3A_271 : vector<16xf32>
        %mul3A_273 = arith.mulf %get3A_270, %get3A_208 : vector<16xf32>
        %add3A_274 = arith.addf %scan3A_196, %mul3A_273 : vector<16xf32>
        %add3A_275 = arith.constant 1050 : i32
        %add3A_276 = arith.addi %add3A_211, %add3A_275 : i32
        %get3A_277 = arith.index_cast %add3A_276 : i32 to index
        %get3A_278 = arith.constant 0 : index
        %get3A_279 = tpu.vector_load %arg8[%get3A_277, %get3A_278] {strides = array<i32>} : memref<4800x16xf32, #tpu.memory_space<vmem>>, vector<16xf32>,
        %mul3A_280 = arith.mulf %get3A_279, %get3A_203 : vector<16xf32>
        %add3A_281 = arith.addf %scan3A_197, %mul3A_280 : vector<16xf32>
        %mul3A_282 = arith.mulf %get3A_279, %get3A_208 : vector<16xf32>
        %add3A_283 = arith.addf %scan3A_198, %mul3A_282 : vector<16xf32>
        scf.yield %add3A_218, %add3A_220, %add3A_227, %add3A_229, %add3A_236, %add3A_238, %add3A_245, %add3A_247, %add3A_254, %add3A_256, %add3A_263, %add3A_265, %add3A_272, %add3A_274, %add3A_281, %add3A_283 : vector<16xf32>, vector<16xf32>, vector<16xf32>, vector<16xf32>, vector<16xf32>, vector<16xf32>, vector<16xf32>, vector<16xf32>, vector<16xf32>, vector<16xf32>, vector<16xf32>, vector<16xf32>, vector<16xf32>, vector<16xf32>, vector<16xf32>, vector<16xf32>
      }
      %scan3A_36 = arith.constant 150 : i32
      %reduce_sum3A = arith.constant true
      %reduce_sum3A_37 = vector.broadcast %reduce_sum3A : i1 to vector<16xi1>
      %reduce_sum3A_38 = tpu.scan <sum>, %scan3A_35#0 masked %reduce_sum3A_37 : vector<16xf32>, vector<16xi1> -> vector<16xf32>
      %reduce_sum3A_39 = vector.extract %reduce_sum3A_38[15] : f32 from vector<16xf32>
      %reduce_sum3A_40 = arith.constant true
      %reduce_sum3A_41 = vector.broadcast %reduce_sum3A_40 : i1 to vector<16xi1>
      %reduce_sum3A_42 = tpu.scan <sum>, %scan3A_35#1 masked %reduce_sum3A_41 : vector<16xf32>, vector<16xi1> -> vector<16xf32>
      %reduce_sum3A_43 = vector.extract %reduce_sum3A_42[15] : f32 from vector<16xf32>
      %eq3A = arith.constant 0 : i32
      %eq3A_44 = vector.broadcast %eq3A : i32 to vector<16xi32>
      %eq3A_45 = arith.cmpi eq, %iota3A, %eq3A_44 : vector<16xi32>
      %broadcast_in_dim3A_46 = vector.broadcast %reduce_sum3A_39 : f32 to vector<16xf32>
      %select_n3A = arith.select %eq3A_45, %broadcast_in_dim3A_46, %broadcast_in_dim3A_6 : vector<16xi1>, vector<16xf32>
      %eq3A_47 = arith.constant 1 : i32
      %eq3A_48 = vector.broadcast %eq3A_47 : i32 to vector<16xi32>
      %eq3A_49 = arith.cmpi eq, %iota3A, %eq3A_48 : vector<16xi32>
      %broadcast_in_dim3A_50 = vector.broadcast %reduce_sum3A_43 : f32 to vector<16xf32>
      %select_n3A_51 = arith.select %eq3A_49, %broadcast_in_dim3A_50, %select_n3A : vector<16xi1>, vector<16xf32>
      %reduce_sum3A_52 = arith.constant true
      %reduce_sum3A_53 = vector.broadcast %reduce_sum3A_52 : i1 to vector<16xi1>
      %reduce_sum3A_54 = tpu.scan <sum>, %scan3A_35#2 masked %reduce_sum3A_53 : vector<16xf32>, vector<16xi1> -> vector<16xf32>
      %reduce_sum3A_55 = vector.extract %reduce_sum3A_54[15] : f32 from vector<16xf32>
      %reduce_sum3A_56 = arith.constant true
      %reduce_sum3A_57 = vector.broadcast %reduce_sum3A_56 : i1 to vector<16xi1>
      %reduce_sum3A_58 = tpu.scan <sum>, %scan3A_35#3 masked %reduce_sum3A_57 : vector<16xf32>, vector<16xi1> -> vector<16xf32>
      %reduce_sum3A_59 = vector.extract %reduce_sum3A_58[15] : f32 from vector<16xf32>
      %eq3A_60 = arith.constant 2 : i32
      %eq3A_61 = vector.broadcast %eq3A_60 : i32 to vector<16xi32>
      %eq3A_62 = arith.cmpi eq, %iota3A, %eq3A_61 : vector<16xi32>
      %broadcast_in_dim3A_63 = vector.broadcast %reduce_sum3A_55 : f32 to vector<16xf32>
      %select_n3A_64 = arith.select %eq3A_62, %broadcast_in_dim3A_63, %select_n3A_51 : vector<16xi1>, vector<16xf32>
      %eq3A_65 = arith.constant 3 : i32
      %eq3A_66 = vector.broadcast %eq3A_65 : i32 to vector<16xi32>
      %eq3A_67 = arith.cmpi eq, %iota3A, %eq3A_66 : vector<16xi32>
      %broadcast_in_dim3A_68 = vector.broadcast %reduce_sum3A_59 : f32 to vector<16xf32>
      %select_n3A_69 = arith.select %eq3A_67, %broadcast_in_dim3A_68, %select_n3A_64 : vector<16xi1>, vector<16xf32>
      %reduce_sum3A_70 = arith.constant true
      %reduce_sum3A_71 = vector.broadcast %reduce_sum3A_70 : i1 to vector<16xi1>
      %reduce_sum3A_72 = tpu.scan <sum>, %scan3A_35#4 masked %reduce_sum3A_71 : vector<16xf32>, vector<16xi1> -> vector<16xf32>
      %reduce_sum3A_73 = vector.extract %reduce_sum3A_72[15] : f32 from vector<16xf32>
      %reduce_sum3A_74 = arith.constant true
      %reduce_sum3A_75 = vector.broadcast %reduce_sum3A_74 : i1 to vector<16xi1>
      %reduce_sum3A_76 = tpu.scan <sum>, %scan3A_35#5 masked %reduce_sum3A_75 : vector<16xf32>, vector<16xi1> -> vector<16xf32>
      %reduce_sum3A_77 = vector.extract %reduce_sum3A_76[15] : f32 from vector<16xf32>
      %eq3A_78 = arith.constant 4 : i32
      %eq3A_79 = vector.broadcast %eq3A_78 : i32 to vector<16xi32>
      %eq3A_80 = arith.cmpi eq, %iota3A, %eq3A_79 : vector<16xi32>
      %broadcast_in_dim3A_81 = vector.broadcast %reduce_sum3A_73 : f32 to vector<16xf32>
      %select_n3A_82 = arith.select %eq3A_80, %broadcast_in_dim3A_81, %select_n3A_69 : vector<16xi1>, vector<16xf32>
      %eq3A_83 = arith.constant 5 : i32
      %eq3A_84 = vector.broadcast %eq3A_83 : i32 to vector<16xi32>
      %eq3A_85 = arith.cmpi eq, %iota3A, %eq3A_84 : vector<16xi32>
      %broadcast_in_dim3A_86 = vector.broadcast %reduce_sum3A_77 : f32 to vector<16xf32>
      %select_n3A_87 = arith.select %eq3A_85, %broadcast_in_dim3A_86, %select_n3A_82 : vector<16xi1>, vector<16xf32>
      %reduce_sum3A_88 = arith.constant true
      %reduce_sum3A_89 = vector.broadcast %reduce_sum3A_88 : i1 to vector<16xi1>
      %reduce_sum3A_90 = tpu.scan <sum>, %scan3A_35#6 masked %reduce_sum3A_89 : vector<16xf32>, vector<16xi1> -> vector<16xf32>
      %reduce_sum3A_91 = vector.extract %reduce_sum3A_90[15] : f32 from vector<16xf32>
      %reduce_sum3A_92 = arith.constant true
      %reduce_sum3A_93 = vector.broadcast %reduce_sum3A_92 : i1 to vector<16xi1>
      %reduce_sum3A_94 = tpu.scan <sum>, %scan3A_35#7 masked %reduce_sum3A_93 : vector<16xf32>, vector<16xi1> -> vector<16xf32>
      %reduce_sum3A_95 = vector.extract %reduce_sum3A_94[15] : f32 from vector<16xf32>
      %eq3A_96 = arith.constant 6 : i32
      %eq3A_97 = vector.broadcast %eq3A_96 : i32 to vector<16xi32>
      %eq3A_98 = arith.cmpi eq, %iota3A, %eq3A_97 : vector<16xi32>
      %broadcast_in_dim3A_99 = vector.broadcast %reduce_sum3A_91 : f32 to vector<16xf32>
      %select_n3A_100 = arith.select %eq3A_98, %broadcast_in_dim3A_99, %select_n3A_87 : vector<16xi1>, vector<16xf32>
      %eq3A_101 = arith.constant 7 : i32
      %eq3A_102 = vector.broadcast %eq3A_101 : i32 to vector<16xi32>
      %eq3A_103 = arith.cmpi eq, %iota3A, %eq3A_102 : vector<16xi32>
      %broadcast_in_dim3A_104 = vector.broadcast %reduce_sum3A_95 : f32 to vector<16xf32>
      %select_n3A_105 = arith.select %eq3A_103, %broadcast_in_dim3A_104, %select_n3A_100 : vector<16xi1>, vector<16xf32>
      %reduce_sum3A_106 = arith.constant true
      %reduce_sum3A_107 = vector.broadcast %reduce_sum3A_106 : i1 to vector<16xi1>
      %reduce_sum3A_108 = tpu.scan <sum>, %scan3A_35#8 masked %reduce_sum3A_107 : vector<16xf32>, vector<16xi1> -> vector<16xf32>
      %reduce_sum3A_109 = vector.extract %reduce_sum3A_108[15] : f32 from vector<16xf32>
      %reduce_sum3A_110 = arith.constant true
      %reduce_sum3A_111 = vector.broadcast %reduce_sum3A_110 : i1 to vector<16xi1>
      %reduce_sum3A_112 = tpu.scan <sum>, %scan3A_35#9 masked %reduce_sum3A_111 : vector<16xf32>, vector<16xi1> -> vector<16xf32>
      %reduce_sum3A_113 = vector.extract %reduce_sum3A_112[15] : f32 from vector<16xf32>
      %eq3A_114 = arith.constant 8 : i32
      %eq3A_115 = vector.broadcast %eq3A_114 : i32 to vector<16xi32>
      %eq3A_116 = arith.cmpi eq, %iota3A, %eq3A_115 : vector<16xi32>
      %broadcast_in_dim3A_117 = vector.broadcast %reduce_sum3A_109 : f32 to vector<16xf32>
      %select_n3A_118 = arith.select %eq3A_116, %broadcast_in_dim3A_117, %select_n3A_105 : vector<16xi1>, vector<16xf32>
      %eq3A_119 = arith.constant 9 : i32
      %eq3A_120 = vector.broadcast %eq3A_119 : i32 to vector<16xi32>
      %eq3A_121 = arith.cmpi eq, %iota3A, %eq3A_120 : vector<16xi32>
      %broadcast_in_dim3A_122 = vector.broadcast %reduce_sum3A_113 : f32 to vector<16xf32>
      %select_n3A_123 = arith.select %eq3A_121, %broadcast_in_dim3A_122, %select_n3A_118 : vector<16xi1>, vector<16xf32>
      %reduce_sum3A_124 = arith.constant true
      %reduce_sum3A_125 = vector.broadcast %reduce_sum3A_124 : i1 to vector<16xi1>
      %reduce_sum3A_126 = tpu.scan <sum>, %scan3A_35#10 masked %reduce_sum3A_125 : vector<16xf32>, vector<16xi1> -> vector<16xf32>
      %reduce_sum3A_127 = vector.extract %reduce_sum3A_126[15] : f32 from vector<16xf32>
      %reduce_sum3A_128 = arith.constant true
      %reduce_sum3A_129 = vector.broadcast %reduce_sum3A_128 : i1 to vector<16xi1>
      %reduce_sum3A_130 = tpu.scan <sum>, %scan3A_35#11 masked %reduce_sum3A_129 : vector<16xf32>, vector<16xi1> -> vector<16xf32>
      %reduce_sum3A_131 = vector.extract %reduce_sum3A_130[15] : f32 from vector<16xf32>
      %eq3A_132 = arith.constant 10 : i32
      %eq3A_133 = vector.broadcast %eq3A_132 : i32 to vector<16xi32>
      %eq3A_134 = arith.cmpi eq, %iota3A, %eq3A_133 : vector<16xi32>
      %broadcast_in_dim3A_135 = vector.broadcast %reduce_sum3A_127 : f32 to vector<16xf32>
      %select_n3A_136 = arith.select %eq3A_134, %broadcast_in_dim3A_135, %select_n3A_123 : vector<16xi1>, vector<16xf32>
      %eq3A_137 = arith.constant 11 : i32
      %eq3A_138 = vector.broadcast %eq3A_137 : i32 to vector<16xi32>
      %eq3A_139 = arith.cmpi eq, %iota3A, %eq3A_138 : vector<16xi32>
      %broadcast_in_dim3A_140 = vector.broadcast %reduce_sum3A_131 : f32 to vector<16xf32>
      %select_n3A_141 = arith.select %eq3A_139, %broadcast_in_dim3A_140, %select_n3A_136 : vector<16xi1>, vector<16xf32>
      %reduce_sum3A_142 = arith.constant true
      %reduce_sum3A_143 = vector.broadcast %reduce_sum3A_142 : i1 to vector<16xi1>
      %reduce_sum3A_144 = tpu.scan <sum>, %scan3A_35#12 masked %reduce_sum3A_143 : vector<16xf32>, vector<16xi1> -> vector<16xf32>
      %reduce_sum3A_145 = vector.extract %reduce_sum3A_144[15] : f32 from vector<16xf32>
      %reduce_sum3A_146 = arith.constant true
      %reduce_sum3A_147 = vector.broadcast %reduce_sum3A_146 : i1 to vector<16xi1>
      %reduce_sum3A_148 = tpu.scan <sum>, %scan3A_35#13 masked %reduce_sum3A_147 : vector<16xf32>, vector<16xi1> -> vector<16xf32>
      %reduce_sum3A_149 = vector.extract %reduce_sum3A_148[15] : f32 from vector<16xf32>
      %eq3A_150 = arith.constant 12 : i32
      %eq3A_151 = vector.broadcast %eq3A_150 : i32 to vector<16xi32>
      %eq3A_152 = arith.cmpi eq, %iota3A, %eq3A_151 : vector<16xi32>
      %broadcast_in_dim3A_153 = vector.broadcast %reduce_sum3A_145 : f32 to vector<16xf32>
      %select_n3A_154 = arith.select %eq3A_152, %broadcast_in_dim3A_153, %select_n3A_141 : vector<16xi1>, vector<16xf32>
      %eq3A_155 = arith.constant 13 : i32
      %eq3A_156 = vector.broadcast %eq3A_155 : i32 to vector<16xi32>
      %eq3A_157 = arith.cmpi eq, %iota3A, %eq3A_156 : vector<16xi32>
      %broadcast_in_dim3A_158 = vector.broadcast %reduce_sum3A_149 : f32 to vector<16xf32>
      %select_n3A_159 = arith.select %eq3A_157, %broadcast_in_dim3A_158, %select_n3A_154 : vector<16xi1>, vector<16xf32>
      %reduce_sum3A_160 = arith.constant true
      %reduce_sum3A_161 = vector.broadcast %reduce_sum3A_160 : i1 to vector<16xi1>
      %reduce_sum3A_162 = tpu.scan <sum>, %scan3A_35#14 masked %reduce_sum3A_161 : vector<16xf32>, vector<16xi1> -> vector<16xf32>
      %reduce_sum3A_163 = vector.extract %reduce_sum3A_162[15] : f32 from vector<16xf32>
      %reduce_sum3A_164 = arith.constant true
      %reduce_sum3A_165 = vector.broadcast %reduce_sum3A_164 : i1 to vector<16xi1>
      %reduce_sum3A_166 = tpu.scan <sum>, %scan3A_35#15 masked %reduce_sum3A_165 : vector<16xf32>, vector<16xi1> -> vector<16xf32>
      %reduce_sum3A_167 = vector.extract %reduce_sum3A_166[15] : f32 from vector<16xf32>
      %eq3A_168 = arith.constant 14 : i32
      %eq3A_169 = vector.broadcast %eq3A_168 : i32 to vector<16xi32>
      %eq3A_170 = arith.cmpi eq, %iota3A, %eq3A_169 : vector<16xi32>
      %broadcast_in_dim3A_171 = vector.broadcast %reduce_sum3A_163 : f32 to vector<16xf32>
      %select_n3A_172 = arith.select %eq3A_170, %broadcast_in_dim3A_171, %select_n3A_159 : vector<16xi1>, vector<16xf32>
      %eq3A_173 = arith.constant 15 : i32
      %eq3A_174 = vector.broadcast %eq3A_173 : i32 to vector<16xi32>
      %eq3A_175 = arith.cmpi eq, %iota3A, %eq3A_174 : vector<16xi32>
      %broadcast_in_dim3A_176 = vector.broadcast %reduce_sum3A_167 : f32 to vector<16xf32>
      %select_n3A_177 = arith.select %eq3A_175, %broadcast_in_dim3A_176, %select_n3A_172 : vector<16xi1>, vector<16xf32>
      %add3A_178 = arith.addf %select_n3A_177, %get3A_15 : vector<16xf32>
      %mul3A_179 = arith.constant 16 : i32
      %mul3A_180 = arith.muli %scan3A_24, %mul3A_179 : i32
      %swap3A = arith.index_cast %mul3A_180 : i32 to index
      %swap3A_181 = tpu.vector_load %arg12[%swap3A] {strides = array<i32>} : memref<64xf32, #tpu.memory_space<vmem>>, vector<16xf32>,
      tpu.vector_store %arg12[%swap3A], %add3A_178 {strides = array<i32>} : memref<64xf32, #tpu.memory_space<vmem>>, vector<16xf32>,
    }
    %scan3A_21 = arith.constant 4 : i32
    %mul3A_22 = arith.constant 64 : i32
    %mul3A_23 = arith.muli %add3A, %mul3A_22 : i32
    "tpu.region"() ({
      %run_scoped3A = tpu.sem_alloc : memref<!tpu.dma_semaphore, #tpu.memory_space<semaphore_mem>>
      %dma_start3A = tpu.memref_slice %arg6[%mul3A_23] : memref<2048xf32, #tpu.memory_space<hbm>> -> memref<64xf32, #tpu.memory_space<hbm>>
      %dma_start3A_24 = tpu.memref_slice %arg6[%mul3A_23] : memref<2048xf32, #tpu.memory_space<hbm>> -> memref<64xf32, #tpu.memory_space<hbm>>
      tpu.enqueue_dma source(%arg12 : memref<64xf32, #tpu.memory_space<vmem>>) target(%dma_start3A_24 : memref<64xf32, #tpu.memory_space<hbm>>) target_semaphore(%run_scoped3A : memref<!tpu.dma_semaphore, #tpu.memory_space<semaphore_mem>>)
      %dma_wait3A = tpu.memref_slice %arg6[%mul3A_23] : memref<2048xf32, #tpu.memory_space<hbm>> -> memref<64xf32, #tpu.memory_space<hbm>>
      %dma_wait3A_25 = tpu.memref_slice %arg6[%mul3A_23] : memref<2048xf32, #tpu.memory_space<hbm>> -> memref<64xf32, #tpu.memory_space<hbm>>
      tpu.wait_dma2 semaphore(%run_scoped3A : memref<!tpu.dma_semaphore, #tpu.memory_space<semaphore_mem>>) src(%arg12 : memref<64xf32, #tpu.memory_space<vmem>>) dst(%dma_wait3A_25 : memref<64xf32, #tpu.memory_space<hbm>>)
      tpu.yield
    }) : () -> ()
    return
  }
}

module attributes {stable_mosaic.version = 14 : i64} {
  func.func @body(%arg0: memref<5001x25xf32, #tpu.memory_space<vmem>>, %arg1: memref<25x16xf32, #tpu.memory_space<vmem>>, %arg2: memref<1800x500xf32, #tpu.memory_space<vmem>>, %arg3: memref<500x2xf32, #tpu.memory_space<vmem>>, %arg4: memref<1x500xf32, #tpu.memory_space<vmem>>, %arg5: memref<1x2xf32, #tpu.memory_space<vmem>>, %arg6: memref<5001x16xf32, #tpu.memory_space<vmem>>, %arg7: memref<1800x2xf32, #tpu.memory_space<vmem>>, %arg8: memref<1x16xf32, #tpu.memory_space<vmem>>) attributes {dimension_semantics = [], scalar_prefetch = 0 : i64, scratch_operands = 0 : i64, tpu.core_type = #tpu.core_type<tc>} {
    %get3A = arith.constant 0 : index
    %get3A_0 = arith.constant 0 : index
    %get3A_1 = vector.load %arg0[%get3A, %get3A_0] : memref<5001x25xf32, #tpu.memory_space<vmem>>, vector<5001x25xf32>
    %get3A_2 = arith.constant 0 : index
    %get3A_3 = arith.constant 0 : index
    %get3A_4 = vector.load %arg1[%get3A_2, %get3A_3] : memref<25x16xf32, #tpu.memory_space<vmem>>, vector<25x16xf32>
    %dot_general3A = arith.constant dense<0.000000e+00> : vector<5001x16xf32>
    %dot_general3A_5 = tpu.matmul %get3A_1, %get3A_4, %dot_general3A {dimension_numbers = #tpu.dot_dimension_numbers<[1], [0], [0], [1], [0, 0, 1, 1], [], []>, transpose_lhs_hint = false} : vector<5001x25xf32>, vector<25x16xf32>, vector<5001x16xf32> -> vector<5001x16xf32>
    %swap3A = arith.constant 0 : index
    %swap3A_6 = arith.constant 0 : index
    %swap3A_7 = vector.load %arg6[%swap3A, %swap3A_6] : memref<5001x16xf32, #tpu.memory_space<vmem>>, vector<5001x16xf32>
    tpu.vector_store %arg6[%swap3A, %swap3A_6], %dot_general3A_5 {strides = array<i32>} : memref<5001x16xf32, #tpu.memory_space<vmem>>, vector<5001x16xf32>,
    %get3A_8 = arith.constant 0 : index
    %get3A_9 = arith.constant 0 : index
    %get3A_10 = vector.load %arg2[%get3A_8, %get3A_9] : memref<1800x500xf32, #tpu.memory_space<vmem>>, vector<1800x500xf32>
    %get3A_11 = arith.constant 0 : index
    %get3A_12 = arith.constant 0 : index
    %get3A_13 = vector.load %arg3[%get3A_11, %get3A_12] : memref<500x2xf32, #tpu.memory_space<vmem>>, vector<500x2xf32>
    %dot_general3A_14 = arith.constant dense<0.000000e+00> : vector<1800x2xf32>
    %dot_general3A_15 = tpu.matmul %get3A_10, %get3A_13, %dot_general3A_14 {dimension_numbers = #tpu.dot_dimension_numbers<[1], [0], [0], [1], [0, 0, 1, 1], [], []>, transpose_lhs_hint = false} : vector<1800x500xf32>, vector<500x2xf32>, vector<1800x2xf32> -> vector<1800x2xf32>
    %swap3A_16 = arith.constant 0 : index
    %swap3A_17 = arith.constant 0 : index
    %swap3A_18 = vector.load %arg7[%swap3A_16, %swap3A_17] : memref<1800x2xf32, #tpu.memory_space<vmem>>, vector<1800x2xf32>
    tpu.vector_store %arg7[%swap3A_16, %swap3A_17], %dot_general3A_15 {strides = array<i32>} : memref<1800x2xf32, #tpu.memory_space<vmem>>, vector<1800x2xf32>,
    %get3A_19 = arith.constant 0 : index
    %get3A_20 = arith.constant 0 : index
    %get3A_21 = vector.load %arg4[%get3A_19, %get3A_20] : memref<1x500xf32, #tpu.memory_space<vmem>>, vector<1x500xf32>
    %get3A_22 = arith.constant 0 : index
    %get3A_23 = arith.constant 0 : index
    %get3A_24 = vector.load %arg3[%get3A_22, %get3A_23] : memref<500x2xf32, #tpu.memory_space<vmem>>, vector<500x2xf32>
    %dot_general3A_25 = arith.constant dense<0.000000e+00> : vector<1x2xf32>
    %dot_general3A_26 = tpu.matmul %get3A_21, %get3A_24, %dot_general3A_25 {dimension_numbers = #tpu.dot_dimension_numbers<[1], [0], [0], [1], [0, 0, 1, 1], [], []>, transpose_lhs_hint = false} : vector<1x500xf32>, vector<500x2xf32>, vector<1x2xf32> -> vector<1x2xf32>
    %get3A_27 = arith.constant 0 : index
    %get3A_28 = arith.constant 0 : index
    %get3A_29 = vector.load %arg5[%get3A_27, %get3A_28] : memref<1x2xf32, #tpu.memory_space<vmem>>, vector<1x2xf32>
    %add3A = arith.addf %dot_general3A_26, %get3A_29 : vector<1x2xf32>
    %concatenate3A = tpu.concatenate %add3A, %add3A, %add3A, %add3A, %add3A, %add3A, %add3A, %add3A in 1 : vector<1x2xf32>, vector<1x2xf32>, vector<1x2xf32>, vector<1x2xf32>, vector<1x2xf32>, vector<1x2xf32>, vector<1x2xf32>, vector<1x2xf32> -> vector<1x16xf32>
    %swap3A_30 = arith.constant 0 : index
    %swap3A_31 = arith.constant 0 : index
    %swap3A_32 = vector.load %arg8[%swap3A_30, %swap3A_31] : memref<1x16xf32, #tpu.memory_space<vmem>>, vector<1x16xf32>
    tpu.vector_store %arg8[%swap3A_30, %swap3A_31], %concatenate3A {strides = array<i32>} : memref<1x16xf32, #tpu.memory_space<vmem>>, vector<1x16xf32>,
    return
  }
}

</mosaic_0001>

<sc_bundles>
// kernel: kernel.4.cloned.1.call-start
scs
__scs_entry_jumppad:
0x0: {  	(pc) =	sbr.rel $0x88, $3  }
0x1: {  	(tag) =	ssettag $0x0;
	lr =	simm.s32 $0x1  }
0x2: {  	[smem:$0x3F9B] =	sst lr;
	_ =	strace $0xD0000000  }
0x3: {  	_ = 	snop  }
0x4: {  	_ = 	snop  }
0x5: {  	_ = 	snop  }
0x6: {  	_ = 	snop  }
0x7: {  	_ = 	snop  }
__scs_overlays_trampoline_lowered:
0x8: {  	[smem:$0x3FAA] =	sst s0  }
0x9: {  	[smem:$0x3FAB] =	sst s1  }
0xa: {  	[smem:$0x3FAC] =	sst s2  }
0xb: {  	[smem:$0x3FAD] =	sst s3  }
0xc: {  	[smem:$0x3FAE] =	sst s4  }
0xd: {  	[smem:$0x3FAF] =	sst s5  }
0xe: {  	[smem:$0x3FB0] =	sst s6  }
0xf: {  	[smem:$0x3FB1] =	sst s7  }
0x10: {  	[smem:$0x3FB2] =	sst s8  }
0x11: {  	[smem:$0x3FB3] =	sst s9;
	s0 =	simm.s32 @!p0 $0x0  }
0x12: {  	s1 =	sld [smem:$0x3F99];
	s0 =	simm.s32 @p0 $0x1  }
0x13: {  	[smem:$0x3FB4] =	sst s0;
	s0 =	simm.s32 @!p1 $0x0  }
0x14: {  	s2 =	sld [smem:$0x3F98];
	s0 =	simm.s32 @p1 $0x1  }
0x15: {  	[smem:$0x3FB5] =	sst s0;
	s0 =	simm.s32 @!p2 $0x0  }
0x16: {  	s3 =	sld [smem:$0x3FDB];
	s0 =	simm.s32 @p2 $0x1  }
0x17: {  	s4 =	simm.s32 $0x1BF5;
	[smem:$0x3FB7] =	sst s0  }
0x18: {  	s0 =	sld [smem:$0x3F9A];
	_ =	swait.ge [sflag:s4], $0x0  }
0x19: {  	s7 =	sld [smem:$0x3F9B]  }
0x1a: {  	s8 =	sadd.s32 $0xFFFFE003, lr  }
0x1b: {  	s9 =	sadd.s32 $0xFFFFFEF7, lr;
	s5 =	simm.s32 $0xFFFFFFFF;
	p2 =	slt.u32 s8, $0xFFFFF086  }
0x1c: {  	p1 =	slt.u32 s9, $0xF7A;
	s5 =	simm.s32 @!p2 $0x0  }
0x1d: {  	s5 =	simm.s32 @p1 $0x1;
	p0 =	seq.s32 s7, s2  }
0x1e: {  	s7 =	smul.u32 @!p0 $0xF7A, s2;
	p2 =	seq.s32 @!p0 s5, $0x0  }
0x1f: {  	s9 =	smul.u32 $0xF7A, s1;
	s8 =	simm.s32 @!p0 $0x1BF5;
	p2 =	por !p2, p0  }
0x20: {  	[sflag:s8] =	ssyncset.s32 @!p0 $0xFFFFF086;
	s6 =	sadd.s32 @!p0 s3, s7;
	s7 =	simm.s32 @!p0 $0x108  }
0x21: {  	s3 =	sadd.s32 s3, s9;
	s6 =	sadd.s32 @!p0 $0x88, s6;
	s7 =	simm.s32 @p2 $0x1082  }
0x22: {  	[simem:s7], [sflag:s8] =	dma.local @!p0 [hbm:s6], $0xF7A  }
0x23: {  	s9 =	sor.u32 $0xD0000000, s2;
	s6 =	simm.s32 $0x108;
	_ =	swait.ge @!p0 [sflag:s8], $0x0  }
0x24: {  	s3 =	sadd.s32 $0x88, s3;
	s6 =	simm.s32 @!p1 $0x1082;
	[sflag:s4] =	ssyncset.s32 $0xFFFFF086  }
0x25: {  	[simem:s6], [sflag:s4] =	dma.local [hbm:s3], $0xF7A  }
0x26: {  	[smem:$0x3F9B] =	sst s1;
	(tag) =	ssettag s2;
	_ =	strace s9  }
0x27: {  	s1 =	sld [smem:$0x3FAB]  }
0x28: {  	s2 =	sld [smem:$0x3FAC]  }
0x29: {  	s4 =	sld [smem:$0x3FAE]  }
0x2a: {  	p0 =	seq.s32 s5, $0x0;
	s5 =	sld [smem:$0x3FAF]  }
0x2b: {  	s6 =	sld [smem:$0x3FB0]  }
0x2c: {  	s7 =	sld [smem:$0x3FB1]  }
0x2d: {  	s3 =	simm.s32 $0x108;
	s8 =	sld [smem:$0x3FB2]  }
0x2e: {  	s3 =	simm.s32 @!p0 $0x1082;
	s9 =	sld [smem:$0x3FB3]  }
0x2f: {  	lr =	sadd.s32 s0, s3;
	s0 =	sld [smem:$0x3FAA]  }
0x30: {  	s3 =	sld [smem:$0x3FAD]  }
0x31: {  	[smem:$0x3FB6] =	sst s10  }
0x32: {  	s10 =	sld [smem:$0x3FB4];
	_ =	sdelay $0x3  }
0x33: {  	p0 =	seq.s32 s10, $0x1;
	s10 =	sld [smem:$0x3FB6];
	_ =	sdelay $0x3  }
0x34: {  	[smem:$0x3FB6] =	sst s10  }
0x35: {  	s10 =	sld [smem:$0x3FB5];
	_ =	sdelay $0x3  }
0x36: {  	p1 =	seq.s32 s10, $0x1;
	s10 =	sld [smem:$0x3FB6];
	_ =	sdelay $0x3  }
0x37: {  	[smem:$0x3FB6] =	sst s10  }
0x38: {  	s10 =	sld [smem:$0x3FB7]  }
0x39: {  	_ = 	snop;
	(pc) =	sbr.ind lr, $3  }
0x3a: {  	_ = 	snop  }
0x3b: {  	_ = 	snop  }
0x3c: {  	p2 =	seq.s32 s10, $0x1;
	s10 =	sld [smem:$0x3FB6]  }
0x3d: {  	_ =	shalt  }
0x3e: {  	_ =	shalt  }
0x3f: {  	_ =	shalt  }
0x40: {  	_ =	shalt  }
0x41: {  	_ =	shalt  }
0x42: {  	_ =	shalt  }
0x43: {  	_ =	shalt  }
0x44: {  	_ =	shalt  }
0x45: {  	_ =	shalt  }
0x46: {  	_ =	shalt  }
0x47: {  	_ =	shalt  }
0x48: {  	_ =	shalt  }
0x49: {  	_ =	shalt  }
0x4a: {  	_ =	shalt  }
0x4b: {  	_ =	shalt  }
0x4c: {  	_ =	shalt  }
0x4d: {  	_ =	shalt  }
0x4e: {  	_ =	shalt  }
0x4f: {  	_ =	shalt  }
0x50: {  	_ =	shalt  }
0x51: {  	_ =	shalt  }
0x52: {  	_ =	shalt  }
0x53: {  	_ =	shalt  }
0x54: {  	_ =	shalt  }
0x55: {  	_ =	shalt  }
0x56: {  	_ =	shalt  }
0x57: {  	_ =	shalt  }
0x58: {  	_ =	shalt  }
0x59: {  	_ =	shalt  }
0x5a: {  	_ =	shalt  }
0x5b: {  	_ =	shalt  }
0x5c: {  	_ =	shalt  }
0x5d: {  	_ =	shalt  }
0x5e: {  	_ =	shalt  }
0x5f: {  	_ =	shalt  }
0x60: {  	_ =	shalt  }
0x61: {  	_ =	shalt  }
0x62: {  	_ =	shalt  }
0x63: {  	_ =	shalt  }
0x64: {  	_ =	shalt  }
0x65: {  	_ =	shalt  }
0x66: {  	_ =	shalt  }
0x67: {  	_ =	shalt  }
0x68: {  	_ =	shalt  }
0x69: {  	_ =	shalt  }
0x6a: {  	_ =	shalt  }
0x6b: {  	_ =	shalt  }
0x6c: {  	_ =	shalt  }
0x6d: {  	_ =	shalt  }
0x6e: {  	_ =	shalt  }
0x6f: {  	_ =	shalt  }
0x70: {  	_ =	shalt  }
0x71: {  	_ =	shalt  }
0x72: {  	_ =	shalt  }
0x73: {  	_ =	shalt  }
0x74: {  	_ =	shalt  }
0x75: {  	_ =	shalt  }
0x76: {  	_ =	shalt  }
0x77: {  	_ =	shalt  }
0x78: {  	_ =	shalt  }
0x79: {  	_ =	shalt  }
0x7a: {  	_ =	shalt  }
0x7b: {  	_ =	shalt  }
0x7c: {  	_ =	shalt  }
0x7d: {  	_ =	shalt  }
0x7e: {  	_ =	shalt  }
0x7f: {  	_ =	shalt  }
0x80: {  	_ =	shalt  }
0x81: {  	_ =	shalt  }
0x82: {  	_ =	shalt  }
0x83: {  	_ =	shalt  }
0x84: {  	_ =	shalt  }
0x85: {  	_ =	shalt  }
0x86: {  	_ =	shalt  }
0x87: {  	_ =	shalt  }
.Lfunc_end0:
.L_simem_size_0:
called_computation_lowered:
.L_overlay_start_0:
0x88: {  	s2 =	sld [smem:$0x3FD9]  }
0x89: {  	s3 =	sld [smem:$0x3FFE];
	_ =	sdelay $0x1  }
0x8a: {  	s1 =	srdreg.scid  }
0x8b: {  	s0 =	sand.u32 $0x1, s1  }
0x8c: {  	s17 =	sshll.u32 s0, $0xA;
	s2 =	sadd.s32 s3, s2  }
0x8d: {  	s2 =	sadd.s32 s2, s17  }
0x8e: {  	[smem:$0x3FC2] =	sst s2  }
0x8f: {  	_ = 	snop  }
0x90: {  	s2 =	sld [smem:$0x3FD0];
	(tm) =	ssettm $0x1  }
0x91: {  	s18 =	sld [smem:$0x3FFB];
	_ =	sdelay $0x3  }
0x92: {  	_ =	strace s18  }
0x93: {  	s3 =	sld [smem:$0x3FFC];
	_ =	sdelay $0x3  }
0x94: {  	_ =	strace s3  }
0x95: {  	s3 =	sld [smem:$0x3FFD];
	_ =	sdelay $0x3  }
0x96: {  	_ =	strace s3  }
0x97: {  	_ =	strace $0x8FFFFFFF  }
0x98: {  	s19 =	sld [smem:$0x3FDB];
	_ =	sdelay $0x1  }
0x99: {  	s4 =	simm.s32 $_scs_section_size  }
0x9a: {  	s5 =	simm.s32 $_size__tile_overlayer_lowered;
	s6 =	simm.s32 $_tile_overlayer_lowered  }
0x9b: {  	s22 =	simm.s32 $0x1BFF;
	s21 =	sshll.u32 s6, $0x1;
	s3 =	sadd.s32 s4, s19  }
0x9c: {  	s7 =	simm.s32 $0x0;
	s20 =	sshll.u32 s5, $0x1;
	s5 =	sadd.s32 s21, s3  }
0x9d: {  	[timem:s7], [sflag:s22] =	dma.local [hbm:s5], s20  }
0x9e: {  	_ =	swait.ge [sflag:s22], s20  }
0x9f: {  	s4 =	ssub.s32 $0x0, s20;
	[sflag:s22] =	ssyncset.done $0x0  }
0xa0: {  	[sflag:s22] =	ssyncadd.s32 s4;
	_ =	sdelay $0x1  }
0xa1: {  	s23 =	simm.s32 $0x1B8B  }
0xa2: {  	_ =	swait.ge [sflag:s23], $0x1  }
0xa3: {  	[sflag:s23] =	ssyncset.done $0x0  }
0xa4: {  	s25 =	simm.s32 $0x1B8E;
	s24 =	sld [smem:$0x3FFE];
	[sflag:s23] =	ssyncadd.s32 $0xFFFFFFFF  }
0xa5: {  	s26 =	simm.s32 $execute0_lowered;
	[smem:$0x3FD2] =	sst s25  }
0xa6: {  	s5 =	sshll.u32 s26, $0x1;
	_ =	strace $0x80000046;
	[dreg:$0x1] =	wrdreg $0xFFFFFFFF  }
0xa7: {  	s28 =	simm.s32 $_size_execute0_lowered;
	s3 =	sadd.s32 s3, s5;
	[dreg:$0x0] =	wrdreg $0x0  }
0xa8: {  	s5 =	sshll.u32 s28, $0x1;
	[dreg:$0x2] =	wrdreg s3  }
0xa9: {  	[dreg:$0x3] =	wrdreg s5  }
0xaa: {  	[dreg:$0x4] =	wrdreg $0xC0  }
0xab: {  	_ =	task [dreg:s7], $0x5FFFF  }
0xac: {  	[dreg:$0x1] =	wrdreg $0xFFFFFFFF  }
0xad: {  	[dreg:$0x0] =	wrdreg $0x60  }
0xae: {  	[dreg:$0x2] =	wrdreg s24  }
0xaf: {  	[dreg:$0x3] =	wrdreg s2  }
0xb0: {  	[dreg:$0x4] =	wrdreg $0x9  }
0xb1: {  	_ =	task.clear_ibuf [dreg:s7], $0x5FFFF;
	_ =	strace $0x90000046  }
0xb2: {  	s29 =	simm.s32 $0x9;
	_ =	strace $0x80000048  }
0xb3: {  	_ =	swait.ge [sflag:s29], $0x1  }
0xb4: {  	[sflag:s29] =	ssyncadd.s32 $0xFFFFFFFF  }
0xb5: {  	_ =	strace $0x90000048  }
0xb6: {  	_ =	sfence  }
0xb7: {  	s30 =	sld [smem:$0x0];
	_ =	sdelay $0x2  }
0xb8: {  	s31 =	sshll.u32 s1, $0xD;
	s1 =	sshrl.u32 s1, $0x2  }
0xb9: {  	s3 =	sand.u32 $0x4000, s31;
	s1 =	sadd.s32 s1, s30  }
0xba: {  	s0 =	sor.u32 s3, s0;
	s1 =	sshll.u32 s1, $0x11  }
0xbb: {  	s0 =	sor.u32 s1, s0  }
0xbc: {  	s0 =	sadd.s32 $0x8F2B, s0  }
0xbd: {  	[sflag:s0] =	ssyncadd.remote.s32 $0x1  }
0xbe: {  	_ =	sfence.sel $0xFFFF  }
0xbf: {  	[dreg:$0x0] =	wrdreg $0xFFFFFFFF;
	(pc) =	sbr.abs _section_cstart, $3  }
0xc0: {  	[dreg:$0x1] =	wrdreg $0xFFFFFFFF  }
0xc1: {  	_ =	task.clear_ibuf [dreg:s7], $0x2FFFF;
	_ =	strace $0x9FFFFFFF  }
0xc2: {  	(tm) =	ssettm $0x7FFFFFFF  }
0xc3: {  	_ =	shalt  }
tec
execute0_lowered:
.L_overlay_start_1:
0x0: {  	(tag) =	ssettag $0x1  }
0x1: {  	s5 =	rddreg [dreg:$0x0]  }
0x2: {  	s1 =	srdreg.scid;
	s0 =	stileid.u32  }
0x3: {  	s7 =	rddreg [dreg:$0x1];
	s2 =	simm.s32 $0x0;
	s11 =	simm.s32 $0x18A00  }
0x4: {  	s12 =	simm.s32 $0x78;
	s13 =	simm.s32 $0x1;
	s14 =	simm.s32 $0x18A10  }
0x5: {  	s4 =	sand.u32 $0x1, s1;
	s3 =	sshll.u32 s0, $0x1;
	s1 =	rddreg [dreg:$0x2]  }
0x6: {  	v0 =	vlaneseq.u32;
	vm0 =	vmmov $0xfff;
	s15 =	simm.s32 $0x0;
	[smem:$0x7FF] =	sst s2;
	s8 =	sor.u32 s4, s3  }
0x7: {  	vm1 =	vmmov $0x1;
	vm2 =	vmmov $0x3;
	vm3 =	vmmov $0x7;
	_ =	strace $0x80000047;
	s3 =	sadd.s32 $0x1E00, s5;
	s9 =	ssub.s32 $0x2, s4  }
0x8: {  	vm4 =	vmmov $0xf;
	vm5 =	vmmov $0x1f;
	vm6 =	vmmov $0x3f;
	s6 =	smul.u32 $0x258, s8;
	s10 =	sshrl.u32 s9, $0x1;
	s8 =	sshll.u32 s8, $0x3  }
0x9: {  	vm7 =	vmmov $0x7f;
	vm8 =	vmmov $0xff;
	vm9 =	vmmov $0x1ff;
	s4 =	sadd.s32 $0x1600, s5;
	s9 =	ssub.s32 s9, s10;
	s7 =	sadd.s32 s7, s8  }
0xa: {  	vm10 =	vmmov $0x3ff;
	vm11 =	vmmov $0x7ff;
	vm12 =	vmmov $0x1fff;
	s10 =	simm.s32 $0x13EC0;
	s6 =	sadd.s32 s6, s5;
	s5 =	sadd.s32 $0x1400, s5  }
0xb: {  	vm13 =	vmmov $0x3fff;
	vm14 =	vmmov $0x7fff;
	v0 =	vmul.u32 $0x8, v0;
	s8 =	smax.u32 s9, $0x1;
	s9 =	simm.s32 $0x2;
	s6 =	sadd.s32 $0x4600, s6  }
.LBB2_1:
0xc: {  	[tilespmem:s2], [sflag:$0x2] =	stream.linear.gather [hbm4b:s6+s2], $0x12C0, $0x38;
	[tilespmem:$0x18A50] =	vst v63  }
0xd: {  	_ =	swait.ge [sflag:s9], $0x12C0  }
0xe: {  	[sflag:s9] =	ssyncset.done $0x0  }
0xf: {  	[sflag:s9] =	ssyncadd.s32 $0xFFFFED40  }
0x10: {  	[tilespmem:s10], [sflag:$0x2] =	stream.linear.gather [hbm4b:s4+s2], $0x3840, $0x38;
	[tilespmem:$0x18A50] =	vst v63  }
0x11: {  	_ =	swait.ge [sflag:s9], $0x3840  }
0x12: {  	[sflag:s9] =	ssyncset.done $0x0  }
0x13: {  	[sflag:s9] =	ssyncadd.s32 $0xFFFFC7C0  }
0x14: {  	[tilespmem:s11], [sflag:$0x2] =	stream.linear.gather [hbm4b:s5+s2], $0x10, $0x38;
	[tilespmem:$0x18A50] =	vst v63  }
0x15: {  	_ =	swait.ge [sflag:s9], $0x10  }
0x16: {  	[sflag:s9] =	ssyncset.done $0x0  }
0x17: {  	s16 =	simm.s32 $0x12C0;
	s17 =	simm.s32 $0x0;
	[sflag:s9] =	ssyncadd.s32 $0xFFFFFFF0  }
.LBB2_2:
0x18: {  	p0 =	sne.s32 s17, $0x4920  }
.Ltmp0:
0x19: {  	_ = 	snop;
	(pc) =	sbr.rel @p0 .LBB2_2-.Ltmp0, $4  }
0x1a: {  	_ = 	snop  }
0x1b: {  	s18 =	sshra.s32 s17, $0x2  }
0x1c: {  	[tilespmem:s16], [sflag:$0x1] =	stream.indirect.gather [hbm4b:s3+s12], $0x10, s18, s12, $0xb8;
	[tilespmem:$0x18A50] =	vst v63  }
0x1d: {  	s17 =	sadd.s32 $0x1E0, s17;
	s16 =	sadd.s32 $0x780, s16  }
0x1e: {  	s16 =	simm.s32 $0x0  }
0x1f: {  	v1 =	vmov s16  }
0x20: {  	v1 =	vshll.u32 v1, $0x3  }
0x21: {  	v1 =	vadd.s32 v0, v1;
	_ =	sdelay $0x4  }
0x22: {  	v2 =	vld.idx.msk [tilespmem:v1+s10+$0x0], $0xffff;
	_ =	sdelay $0x1  }
0x23: {  	v1 =	vor.u32 $0x1, v1;
	_ =	sdelay $0x2  }
0x24: {  	s16 =	simm.s32 $0x17750;
	v2 =	vnsel vm0, $0x0, v2  }
0x25: {  	s17 =	simm.s32 $0xC;
	[tilespmem:s16+$0xFFFFFFF0] =	vst v2  }
0x26: {  	v2 =	vmov s17;
	s17 =	simm.s32 $0x18;
	v1 =	vld.idx.msk [tilespmem:v1+s10+$0x0], $0xffff  }
.LBB2_4:
0x27: {  	p0 =	sne.s32 s17, $0x6FC;
	v2 =	vshll.u32 v2, $0x3  }
0x28: {  	v2 =	vadd.s32 v0, v2;
	_ =	sdelay $0x2  }
0x29: {  	v1 =	vnsel vm0, $0x0, v1  }
0x2a: {  	[tilespmem:s16+$0x0] =	vst v1  }
0x2b: {  	v1 =	vld.idx.msk [tilespmem:v2+s10+$0x0], $0xffff;
	_ =	sdelay $0x2  }
0x2c: {  	v2 =	vor.u32 $0x1, v2;
	_ =	sdelay $0x1  }
.Ltmp1:
0x2d: {  	(pc) =	sbr.rel @p0 .LBB2_4-.Ltmp1, $4  }
0x2e: {  	s16 =	sadd.s32 $0x20, s16;
	v1 =	vnsel vm0, $0x0, v1  }
0x2f: {  	[tilespmem:s16+$0xFFFFFFF0] =	vst v1  }
0x30: {  	v1 =	vld.idx.msk [tilespmem:v2+s10+$0x0], $0xffff  }
0x31: {  	v2 =	vmov s17;
	s17 =	sadd.s32 $0xC, s17  }
0x32: {  	v2 =	vshll.u32 v2, $0x3  }
0x33: {  	v2 =	vadd.s32 v0, v2;
	_ =	sdelay $0x2  }
0x34: {  	v1 =	vnsel vm0, $0x0, v1  }
0x35: {  	[tilespmem:s16+$0x0] =	vst v1  }
0x36: {  	v1 =	vld.idx.msk [tilespmem:v2+s10+$0x0], $0xffff;
	_ =	sdelay $0x1  }
0x37: {  	v2 =	vor.u32 $0x1, v2;
	_ =	sdelay $0x2  }
0x38: {  	s31 =	sadd.s32 $0x20, s16;
	v1 =	vnsel vm0, $0x0, v1  }
0x39: {  	[tilespmem:s31+$0xFFFFFFF0] =	vst v1  }
0x3a: {  	v1 =	vld.idx.msk [tilespmem:v2+s10+$0x0], $0xffff;
	_ =	sdelay $0x4  }
0x3b: {  	v1 =	vnsel vm0, $0x0, v1  }
0x3c: {  	[tilespmem:s31+$0x0] =	vst v1  }
0x3d: {  	s17 =	simm.s32 $0x12C0;
	s16 =	simm.s32 $0x0;
	v1 =	vld [tilespmem:$0x18A00]  }
.LBB2_6:
0x3e: {  	_ =	swait.ge [sflag:s13], $0x780  }
0x3f: {  	[sflag:s13] =	ssyncset.done $0x0  }
0x40: {  	[sflag:s13] =	ssyncadd.s32 $0xFFFFF880  }
0x41: {  	_ =	swait.ge [sflag:s13], $0x780  }
0x42: {  	[sflag:s13] =	ssyncset.done $0x0  }
0x43: {  	[sflag:s13] =	ssyncadd.s32 $0xFFFFF880  }
0x44: {  	_ =	swait.ge [sflag:s13], $0x780  }
0x45: {  	[sflag:s13] =	ssyncset.done $0x0  }
0x46: {  	[sflag:s13] =	ssyncadd.s32 $0xFFFFF880  }
0x47: {  	_ =	swait.ge [sflag:s13], $0x780  }
0x48: {  	[sflag:s13] =	ssyncset.done $0x0  }
0x49: {  	[sflag:s13] =	ssyncadd.s32 $0xFFFFF880  }
0x4a: {  	_ =	swait.ge [sflag:s13], $0x780  }
0x4b: {  	[sflag:s13] =	ssyncset.done $0x0  }
0x4c: {  	[sflag:s13] =	ssyncadd.s32 $0xFFFFF880  }
0x4d: {  	_ =	swait.ge [sflag:s13], $0x780  }
0x4e: {  	[sflag:s13] =	ssyncset.done $0x0  }
0x4f: {  	[sflag:s13] =	ssyncadd.s32 $0xFFFFF880  }
0x50: {  	_ =	swait.ge [sflag:s13], $0x780  }
0x51: {  	[sflag:s13] =	ssyncset.done $0x0  }
0x52: {  	[sflag:s13] =	ssyncadd.s32 $0xFFFFF880  }
0x53: {  	_ =	swait.ge [sflag:s13], $0x780  }
0x54: {  	[sflag:s13] =	ssyncset.done $0x0  }
0x55: {  	[sflag:s13] =	ssyncadd.s32 $0xFFFFF880  }
0x56: {  	_ =	swait.ge [sflag:s13], $0x780  }
0x57: {  	[sflag:s13] =	ssyncset.done $0x0  }
0x58: {  	[sflag:s13] =	ssyncadd.s32 $0xFFFFF880  }
0x59: {  	_ =	swait.ge [sflag:s13], $0x780  }
0x5a: {  	[sflag:s13] =	ssyncset.done $0x0  }
0x5b: {  	[sflag:s13] =	ssyncadd.s32 $0xFFFFF880  }
0x5c: {  	v2 =	vld [tilespmem:s17+$0x0]  }
0x5d: {  	v4 =	vld [tilespmem:s17+$0x2EE0]  }
0x5e: {  	v12 =	vld [tilespmem:s17+$0x3840]  }
0x5f: {  	s18 =	simm.s32 $0x0;
	v3 =	vld [tilespmem:s17+$0x12C0]  }
0x60: {  	v6 =	vld [tilespmem:s18+$0x17750]  }
0x61: {  	v13 =	vld [tilespmem:s17+$0x41A0]  }
0x62: {  	v8 =	vld [tilespmem:s17+$0x2580]  }
0x63: {  	v26 =	vld [tilespmem:s17+$0x960]  }
0x64: {  	v14 =	vld [tilespmem:s18+$0x17740]  }
0x65: {  	v17 =	vld [tilespmem:s17+$0x1C20];
	v5 =	vmul.f32 v2, v6  }
0x66: {  	s19 =	sadd.s32 $0x10, s17;
	v10 =	vmul.f32 v12, v6;
	v9 =	vmul.f32 v3, v6  }
0x67: {  	v22 =	vld [tilespmem:s19+$0x0];
	v19 =	vmul.f32 v4, v6;
	v20 =	vmul.f32 v8, v6  }
0x68: {  	v7 =	vld [tilespmem:s19+$0x2EE0];
	v16 =	vmul.f32 v13, v6;
	v21 =	vmul.f32 v26, v6  }
0x69: {  	v11 =	vimm.f32 $0.0e+00;
	s31 =	simm.s32 $0x20;
	v18 =	vld [tilespmem:s19+$0x12C0];
	v23 =	vmul.f32 v3, v14;
	v24 =	vmul.f32 v2, v14  }
0x6a: {  	v25 =	vld [tilespmem:s31+$0x17740];
	v27 =	vmul.f32 v17, v6;
	v15 =	vadd.f32 v5, v11;
	v9 =	vadd.f32 v9, v11  }
0x6b: {  	v28 =	vmul.f32 v4, v14;
	v4 =	vld [tilespmem:s31+$0x17750];
	v3 =	vadd.f32 v10, v11;
	v2 =	vadd.f32 v16, v11  }
0x6c: {  	v29 =	vmul.f32 v8, v14;
	v5 =	vld [tilespmem:s19+$0x3840];
	v16 =	vadd.f32 v23, v11;
	v23 =	vadd.f32 v24, v11  }
0x6d: {  	v6 =	vld [tilespmem:s19+$0x41A0];
	v31 =	vmul.f32 v13, v14;
	v10 =	vadd.f32 v20, v11;
	v21 =	vadd.f32 v21, v11  }
0x6e: {  	v20 =	vmul.f32 v17, v14;
	v8 =	vadd.f32 v19, v11;
	v17 =	vadd.f32 v27, v11;
	v24 =	vld [tilespmem:s19+$0x2580]  }
0x6f: {  	v27 =	vmul.f32 v12, v14;
	v12 =	vadd.f32 v28, v11;
	v28 =	vld [tilespmem:s19+$0x960];
	v19 =	vadd.f32 v29, v11  }
0x70: {  	v29 =	vmul.f32 v26, v14;
	v14 =	vadd.f32 v31, v11;
	v20 =	vadd.f32 v20, v11  }
0x71: {  	s18 =	simm.s32 $0x100;
	v26 =	vld [tilespmem:s19+$0x1C20];
	s19 =	sadd.s32 $0x10, s19;
	v13 =	vadd.f32 v27, v11;
	v30 =	vmul.f32 v22, v4;
	v27 =	vmul.f32 v5, v4  }
.LBB2_7:
0x72: {  	s20 =	sshra.s32 s18, $0x2;
	v31 =	vld [tilespmem:s19+$0x0];
	p0 =	sne.s32 s18, $0x4A80;
	s18 =	sadd.s32 $0x80, s18;
	v38 =	vmul.f32 v18, v4;
	v33 =	vmul.f32 v7, v4;
	v11 =	vadd.f32 v29, v11;
	v29 =	vmovc v25  }
0x73: {  	v34 =	vld [tilespmem:s19+$0x2EE0];
	v15 =	vadd.f32 v30, v15;
	v25 =	vmul.f32 v24, v4;
	v30 =	vmul.f32 v6, v4  }
0x74: {  	v37 =	vmul.f32 v18, v29;
	v35 =	vld [tilespmem:s19+$0x3840];
	v36 =	vmul.f32 v28, v4;
	v9 =	vadd.f32 v38, v9;
	v32 =	vmovc v28  }
0x75: {  	v3 =	vadd.f32 v27, v3;
	v38 =	vmul.f32 v22, v29;
	v18 =	vld [tilespmem:s19+$0x12C0];
	v2 =	vadd.f32 v30, v2  }
0x76: {  	v16 =	vadd.f32 v37, v16;
	v28 =	vmul.f32 v26, v4;
	v30 =	vmul.f32 v7, v29;
	v27 =	vld [tilespmem:s19+$0x41A0]  }
0x77: {  	v37 =	vmul.f32 v24, v29;
	v10 =	vadd.f32 v25, v10;
	v23 =	vadd.f32 v38, v23;
	v4 =	vld [tilespmem:s20+$0x17750];
	v22 =	vmovc v31  }
.Ltmp2:
0x78: {  	v8 =	vadd.f32 v33, v8;
	v26 =	vmul.f32 v26, v29;
	v21 =	vadd.f32 v36, v21;
	v25 =	vld [tilespmem:s20+$0x17740];
	v7 =	vmovc v34;
	(pc) =	sbr.rel @p0 .LBB2_7-.Ltmp2, $4  }
0x79: {  	v17 =	vadd.f32 v28, v17;
	v12 =	vadd.f32 v30, v12;
	v30 =	vmul.f32 v5, v29;
	v24 =	vld [tilespmem:s19+$0x2580];
	v5 =	vmovc v35  }
0x7a: {  	v20 =	vadd.f32 v26, v20;
	v19 =	vadd.f32 v37, v19;
	v31 =	vmul.f32 v6, v29;
	v28 =	vld [tilespmem:s19+$0x960]  }
0x7b: {  	v29 =	vmul.f32 v32, v29;
	v13 =	vadd.f32 v30, v13;
	v26 =	vld [tilespmem:s19+$0x1C20];
	v6 =	vmov v27  }
0x7c: {  	v14 =	vadd.f32 v31, v14;
	s19 =	sadd.s32 $0x10, s19;
	v30 =	vmul.f32 v22, v4;
	v27 =	vmul.f32 v5, v4  }
0x7d: {  	v22 =	vmul.f32 v22, v25;
	_ =	sdelay $0x1  }
0x7e: {  	v11 =	vadd.f32 v29, v11;
	v22 =	vadd.f32 v22, v23;
	v61 =	vmul.f32 v28, v25  }
0x7f: {  	v15 =	vadd.f32 v30, v15;
	v62 =	vmul.f32 v28, v4  }
0x80: {  	v63 =	vmul.f32 v18, v25;
	v11 =	vadd.f32 v61, v11;
	(xrf2) =	vadd.scan.msk.f32 $0xffff, v22  }
0x81: {  	v30 =	vmul.f32 v18, v4;
	v21 =	vadd.f32 v62, v21;
	(xrf2) =	vadd.scan.msk.f32 $0xffff, v15  }
0x82: {  	v31 =	vadd.f32 v63, v16;
	v32 =	vmul.f32 v26, v25;
	(xrf2) =	vadd.scan.msk.f32 $0xffff, v11  }
0x83: {  	v9 =	vadd.f32 v30, v9;
	v33 =	vmul.f32 v26, v4;
	(xrf2) =	vadd.scan.msk.f32 $0xffff, v21  }
0x84: {  	v34 =	vmul.f32 v24, v25;
	v16 =	vadd.f32 v32, v20;
	(xrf2) =	vadd.scan.msk.f32 $0xffff, v31  }
0x85: {  	v35 =	vmul.f32 v24, v4;
	v11 =	vadd.f32 v33, v17;
	(xrf2) =	vadd.scan.msk.f32 $0xffff, v9  }
0x86: {  	v36 =	vmul.f32 v7, v25;
	v37 =	vadd.f32 v34, v19;
	(xrf2) =	vadd.scan.msk.f32 $0xffff, v16  }
0x87: {  	v38 =	vmul.f32 v7, v4;
	v10 =	vadd.f32 v35, v10;
	(xrf2) =	vadd.scan.msk.f32 $0xffff, v11  }
0x88: {  	v5 =	vmul.f32 v5, v25;
	v9 =	vadd.f32 v36, v12;
	(xrf2) =	vadd.scan.msk.f32 $0xffff, v37  }
0x89: {  	v7 =	vadd.f32 v38, v8;
	(xrf2) =	vadd.scan.msk.f32 $0xffff, v10  }
0x8a: {  	v39 =	vmul.f32 v6, v25;
	v5 =	vadd.f32 v5, v13;
	v40, _, _ =	vpop (xrf2);
	(xrf2) =	vadd.scan.msk.f32 $0xffff, v9  }
0x8b: {  	v45 =	vmul.f32 v6, v4;
	v3 =	vadd.f32 v27, v3;
	v41, _, _ =	vpop (xrf2);
	(xrf2) =	vadd.scan.msk.f32 $0xffff, v7  }
0x8c: {  	v42 =	vadd.f32 v39, v14;
	v43 =	vbroadcast v40, $0xF;
	v9 =	vbroadcast v41, $0xF;
	v44, _, _ =	vpop (xrf2);
	(xrf2) =	vadd.scan.msk.f32 $0xffff, v5  }
0x8d: {  	v46, _, _ =	vpop (xrf2);
	v47 =	vbroadcast v44, $0xF;
	(xrf2) =	vadd.scan.msk.f32 $0xffff, v3  }
0x8e: {  	v2 =	vadd.f32 v45, v2;
	v3 =	vsel vm1, v43, v9;
	v5 =	vbroadcast v46, $0xF;
	v48, _, _ =	vpop (xrf2);
	(xrf2) =	vadd.scan.msk.f32 $0xffff, v42  }
0x8f: {  	v49, _, _ =	vpop (xrf2);
	v3 =	vsel vm2, v3, v47;
	v50 =	vbroadcast v48, $0xF  }
0x90: {  	v51, _, _ =	vpop (xrf2);
	v3 =	vsel vm3, v3, v5;
	v52 =	vbroadcast v49, $0xF  }
0x91: {  	(xrf2) =	vadd.scan.msk.f32 $0xffff, v2;
	v3 =	vsel vm4, v3, v50;
	v53, _, _ =	vpop (xrf2);
	v6 =	vbroadcast v51, $0xF  }
0x92: {  	v2, _, _ =	vpop (xrf2);
	v3 =	vsel vm5, v3, v52;
	v4 =	vbroadcast v53, $0xF  }
0x93: {  	v54, _, _ =	vpop (xrf2);
	v3 =	vsel vm6, v3, v6;
	v2 =	vbroadcast v2, $0xF  }
0x94: {  	v55, _, _ =	vpop (xrf2);
	v3 =	vsel vm7, v3, v4;
	v56 =	vbroadcast v54, $0xF  }
0x95: {  	v57, _, _ =	vpop (xrf2);
	v2 =	vsel vm8, v3, v2;
	v3 =	vbroadcast v55, $0xF  }
0x96: {  	v58, _, _ =	vpop (xrf2);
	v2 =	vsel vm9, v2, v56;
	v59 =	vbroadcast v57, $0xF  }
0x97: {  	v60, _, _ =	vpop (xrf2);
	v2 =	vsel vm10, v2, v3;
	v3 =	vbroadcast v58, $0xF  }
0x98: {  	v61, _, _ =	vpop (xrf2);
	v2 =	vsel vm11, v2, v59;
	v62 =	vbroadcast v60, $0xF  }
0x99: {  	s18 =	sshll.u32 s16, $0x4;
	s16 =	sadd.s32 $0x1, s16;
	v2 =	vsel vm0, v2, v3;
	v3 =	vbroadcast v61, $0xF  }
0x9a: {  	p0 =	sne.s32 s16, $0x4;
	v2 =	vsel vm12, v2, v62  }
.Ltmp3:
0x9b: {  	v63, _, _ =	vpop (xrf2);
	v2 =	vsel vm13, v2, v3;
	(pc) =	sbr.rel @p0 .LBB2_6-.Ltmp3, $4  }
0x9c: {  	v2 =	vsel vm14, v2, v63  }
0x9d: {  	v2 =	vadd.f32 v2, v1  }
0x9e: {  	s18 =	sand.u32 $0x3FFFFFF0, s18  }
0x9f: {  	s17 =	sadd.s32 $0x4B00, s17;
	[tilespmem:s18+$0x18A10] =	vst v2  }
0xa0: {  	s15 =	sadd.s32 $0x1, s15  }
0xa1: {  	p0 =	sne.s32 s15, s8  }
.Ltmp4:
0xa2: {  	_ = 	snop;
	(pc) =	sbr.rel @p0 .LBB2_1-.Ltmp4, $4  }
0xa3: {  	[hbm4b:s7+s2] =	stream.linear.scatter [tilespmem:s14], [sflag:$0x2], $0x40, $0x38;
	[tilespmem:$0x18A50] =	vst v63  }
0xa4: {  	_ =	swait.ge [sflag:s9], $0x40  }
0xa5: {  	[sflag:s9] =	ssyncset.done $0x0  }
0xa6: {  	[sflag:s9] =	ssyncadd.s32 $0xFFFFFFC0  }
0xa7: {  	_ =	sfence.sel $0x180000  }
0xa8: {  	[bflag:$0x0] =	sbarrier.arrive $0xFFFF  }
0xa9: {  	p0 =	sne.s32 s0, $0x0;
	_ =	strace $0x90000047  }
0xaa: {  	s0 =	sadd.s32 @!p0 $0x100000, s1;
	[bflag:$0x2] =	sbarrier.arrive $0xFFFF  }
0xab: {  	[sflag:s0] =	ssyncadd.tile.s32 @!p0 $0x1;
	_ =	shalt  }
.Lfunc_end2:
_tile_overlayer_lowered:
.L_overlay_start_2:
0xac: {  	(tag) =	ssettag $0x2  }
0xad: {  	s0 =	rddreg [dreg:$0x0];
	s2 =	stileid.u32  }
0xae: {  	s1 =	rddreg [dreg:$0x1];
	p0 =	sne.s32 s2, $0x0  }
0xaf: {  	s3 =	rddreg [dreg:$0x2];
	[bflag:$0x3] =	sbarrier.arrive $0xFFFF;
	s2 =	simm.s32 @!p0 $0x1C02  }
0xb0: {  	[timem:s3], [sflag:s2] =	dma.local @!p0 [hbm:s0], s1  }
0xb1: {  	s0 =	simm.s32 @!p0 $0x2  }
0xb2: {  	_ =	swait.ge @!p0 [sflag:s0], s1  }
0xb3: {  	s1 =	ssub.s32 @!p0 $0x0, s1;
	[sflag:s0] =	ssyncset.done @!p0 $0x0  }
0xb4: {  	[sflag:s0] =	ssyncadd.s32 @!p0 s1  }
0xb5: {  	[bflag:$0x3] =	sbarrier.arrive $0xFFFF  }
0xb6: {  	_ =	shalt  }

</sc_bundles>
